<compile_context>
chip_gen: v7x
topology: tpu7x:2x2x1
jax: 0.10.2.dev20260603
libtpu: 0.0.44.dev20260713+nightly
codegen_flags: <defaults>
</compile_context>

<pallas_src>
import functools

import jax
import jax.numpy as jnp
from jax.experimental import pallas as pl
from jax.experimental.pallas import tpu as pltpu

_R = 128
_C = 1024
_S = 8
_THR = 0.5
_EPS = 1e-9
_BIG = 2.0e9


def _nms_kernel(cchunk, x1_ref, y1_ref, x2_ref, y2_ref, ar_ref, out_ref,
                px1_ref, py1_ref, px2_ref, py2_ref, par_ref,
                sx1_ref, sy1_ref, sx2_ref, sy2_ref, sar_ref):
    t = pl.program_id(0)
    base = t * _R

    @pl.when(t == 0)
    def _init():
        px1_ref[...] = jnp.full_like(px1_ref, _BIG)
        py1_ref[...] = jnp.full_like(py1_ref, _BIG)
        px2_ref[...] = jnp.full_like(px2_ref, _BIG)
        py2_ref[...] = jnp.full_like(py2_ref, _BIG)
        par_ref[...] = jnp.zeros_like(par_ref)

    xr1 = x1_ref[:, pl.ds(base, _R)].reshape(_R, 1)
    yr1 = y1_ref[:, pl.ds(base, _R)].reshape(_R, 1)
    xr2 = x2_ref[:, pl.ds(base, _R)].reshape(_R, 1)
    yr2 = y2_ref[:, pl.ds(base, _R)].reshape(_R, 1)
    arr = ar_ref[:, pl.ds(base, _R)].reshape(_R, 1)
    sx1_ref[...] = xr1
    sy1_ref[...] = yr1
    sx2_ref[...] = xr2
    sy2_ref[...] = yr2
    sar_ref[...] = arr

    def cross_body(c, sup):
        cb = c * cchunk
        xc1 = px1_ref[:, pl.ds(cb, cchunk)]
        yc1 = py1_ref[:, pl.ds(cb, cchunk)]
        xc2 = px2_ref[:, pl.ds(cb, cchunk)]
        yc2 = py2_ref[:, pl.ds(cb, cchunk)]
        arc = par_ref[:, pl.ds(cb, cchunk)]
        w = jnp.maximum(jnp.minimum(xr2, xc2) - jnp.maximum(xr1, xc1), 0.0)
        h = jnp.maximum(jnp.minimum(yr2, yc2) - jnp.maximum(yr1, yc1), 0.0)
        inter = w * h
        iou = inter / (arc + arr - inter + _EPS)
        row_max = jnp.max(iou, axis=1, keepdims=True).reshape(1, _R)
        return jnp.maximum(sup, row_max)

    nchunks = (t * _R + cchunk - 1) // cchunk
    sup = jax.lax.fori_loop(
        0, nchunks, cross_body, jnp.zeros((1, _R), jnp.float32), unroll=False
    )
    keep0 = jnp.where(sup > _THR, 0.0, 1.0)

    tx1 = x1_ref[:, pl.ds(base, _R)]
    ty1 = y1_ref[:, pl.ds(base, _R)]
    tx2 = x2_ref[:, pl.ds(base, _R)]
    ty2 = y2_ref[:, pl.ds(base, _R)]
    tar = ar_ref[:, pl.ds(base, _R)]
    j = jax.lax.broadcasted_iota(jnp.int32, (1, _R), 1)

    l8 = jax.lax.broadcasted_iota(jnp.int32, (1, _S), 1)
    i8 = jax.lax.broadcasted_iota(jnp.int32, (_S, 1), 0)

    def slab_body(s, keep):
        k8 = s * _S
        rx1 = sx1_ref[pl.ds(k8, _S), :]
        ry1 = sy1_ref[pl.ds(k8, _S), :]
        rx2 = sx2_ref[pl.ds(k8, _S), :]
        ry2 = sy2_ref[pl.ds(k8, _S), :]
        rar = sar_ref[pl.ds(k8, _S), :]
        w = jnp.maximum(jnp.minimum(rx2, tx2) - jnp.maximum(rx1, tx1), 0.0)
        h = jnp.maximum(jnp.minimum(ry2, ty2) - jnp.maximum(ry1, ty1), 0.0)
        inter = w * h
        iou8 = inter / (rar + tar - inter + _EPS)

        cx1 = rx1.reshape(1, _S)
        cy1 = ry1.reshape(1, _S)
        cx2 = rx2.reshape(1, _S)
        cy2 = ry2.reshape(1, _S)
        car = rar.reshape(1, _S)
        cw = jnp.maximum(jnp.minimum(rx2, cx2) - jnp.maximum(rx1, cx1), 0.0)
        ch = jnp.maximum(jnp.minimum(ry2, cy2) - jnp.maximum(ry1, cy1), 0.0)
        cinter = cw * ch
        ciou = cinter / (rar + car - cinter + _EPS)
        chit = jnp.where((ciou > _THR) & (l8 > i8), 1.0, 0.0)

        g = [jnp.max(jnp.where(j == k8 + r, keep, 0.0), axis=1, keepdims=True)
             for r in range(_S)]
        for r in range(1, _S):
            acc = g[r]
            for q in range(r):
                acc = acc * (1.0 - chit[q:q + 1, r:r + 1] * g[q])
            g[r] = acc
        for r in range(_S):
            suppress = (iou8[r:r + 1, :] > _THR) & (j > k8 + r) & (g[r] > 0.0)
            keep = jnp.where(suppress, 0.0, keep)
        return keep

    keep = jax.lax.fori_loop(0, _R // _S, slab_body, keep0, unroll=False)

    out_ref[:, pl.ds(base, _R)] = keep
    kept = keep > 0.0
    px1_ref[:, pl.ds(base, _R)] = jnp.where(kept, tx1, _BIG)
    py1_ref[:, pl.ds(base, _R)] = jnp.where(kept, ty1, _BIG)
    px2_ref[:, pl.ds(base, _R)] = jnp.where(kept, tx2, _BIG)
    py2_ref[:, pl.ds(base, _R)] = jnp.where(kept, ty2, _BIG)
    par_ref[:, pl.ds(base, _R)] = jnp.where(kept, tar, 0.0)


def _run_nms(x1, y1, x2, y2, area, interpret=False):
    npad = x1.shape[1]
    cchunk = min(_C, npad)
    spec = pl.BlockSpec((1, npad), lambda t: (0, 0))
    big = pltpu.VMEM((1, npad), jnp.float32)
    small = pltpu.VMEM((_R, 1), jnp.float32)
    keep = pl.pallas_call(
        functools.partial(_nms_kernel, cchunk),
        grid=(npad // _R,),
        in_specs=[spec] * 5,
        out_specs=spec,
        out_shape=jax.ShapeDtypeStruct((1, npad), jnp.float32),
        scratch_shapes=[big] * 5 + [small] * 5,
        interpret=interpret,
    )(x1, y1, x2, y2, area)
    return keep[0]


def kernel(boxes, scores):
    n = scores.shape[0]
    order = jnp.argsort(-scores)
    b = boxes[order]
    blk = max(_R, _C)
    npad = ((n + blk - 1) // blk) * blk
    pad = npad - n
    bp = jnp.concatenate([b, jnp.full((pad, 4), _BIG, jnp.float32)], axis=0)
    x1 = bp[:, 0].reshape(1, npad)
    y1 = bp[:, 1].reshape(1, npad)
    x2 = bp[:, 2].reshape(1, npad)
    y2 = bp[:, 3].reshape(1, npad)
    area = (x2 - x1) * (y2 - y1)
    keep_sorted = _run_nms(x1, y1, x2, y2, area)[:n] > 0.0
    kept = jnp.zeros((n,), dtype=bool).at[order].set(keep_sorted)
    return jnp.where(kept, scores, 0.0)

# --- scband reference (transcript-rebuilt; emitter-appended) ---
"""Pipeline reference for scband-network-88811333746858 (READ-ONLY COPY).

The authoritative reference and input builder live on the scoring server;
editing this copy changes nothing except your own understanding.
"""

import jax, jax.numpy as jnp
import numpy as np

N = 20000
IOU_THRESHOLD = 0.5


def setup_inputs(seed: int = 0) -> dict:
    key = jax.random.key(seed)
    k1, k2, k3 = jax.random.split(key, 3)
    cxcy = jax.random.uniform(k1, (N, 2), minval=0.0, maxval=1024.0)
    wh = jax.random.uniform(k2, (N, 2), minval=8.0, maxval=128.0)
    boxes = jnp.concatenate([cxcy - wh / 2.0, cxcy + wh / 2.0], axis=1).astype(jnp.float32)
    scores = jax.random.uniform(k3, (N,), dtype=jnp.float32)
    return {"boxes": boxes, "scores": scores}


def _nms_keep(boxes, scores, iou_threshold):
    n = boxes.shape[0]
    order = jnp.argsort(-scores)
    b = boxes[order]
    x1, y1, x2, y2 = b[:, 0], b[:, 1], b[:, 2], b[:, 3]
    areas = (x2 - x1) * (y2 - y1)
    idx = jnp.arange(n)

    def body(keep, i):
        xx1 = jnp.maximum(x1[i], x1)
        yy1 = jnp.maximum(y1[i], y1)
        xx2 = jnp.minimum(x2[i], x2)
        yy2 = jnp.minimum(y2[i], y2)
        w = jnp.maximum(xx2 - xx1, 0.0)
        h = jnp.maximum(yy2 - yy1, 0.0)
        inter = w * h
        iou = inter / (areas[i] + areas - inter + 1e-9)
        suppress = (iou > iou_threshold) & (idx > i) & keep[i]
        keep = keep & (~suppress)
        return keep, None

    keep0 = jnp.ones((n,), dtype=bool)
    keep_sorted, _ = jax.lax.scan(body, keep0, idx)
    # scatter keep decisions back to original (unsorted) box order
    keep = jnp.zeros((n,), dtype=bool).at[order].set(keep_sorted)
    return keep


def reference(boxes, scores):
    keep = _nms_keep(boxes, scores, IOU_THRESHOLD)
    kept_scores = jnp.where(keep, scores, 0.0)
    return kept_scores

if __name__ == "__main__":
    import jax
    _d = setup_inputs()
    print(jax.jit(kernel)(*tuple(_d.values())))

</pallas_src>

<mosaic_0001>
module attributes {stable_mosaic.version = 14 : i64} {
  func.func @_nms_kernel(%arg0: i32, %arg1: memref<1x20480xf32, #tpu.memory_space<vmem>>, %arg2: memref<1x20480xf32, #tpu.memory_space<vmem>>, %arg3: memref<1x20480xf32, #tpu.memory_space<vmem>>, %arg4: memref<1x20480xf32, #tpu.memory_space<vmem>>, %arg5: memref<1x20480xf32, #tpu.memory_space<vmem>>, %arg6: memref<1x20480xf32, #tpu.memory_space<vmem>>, %arg7: memref<1x20480xf32, #tpu.memory_space<vmem>>, %arg8: memref<1x20480xf32, #tpu.memory_space<vmem>>, %arg9: memref<1x20480xf32, #tpu.memory_space<vmem>>, %arg10: memref<1x20480xf32, #tpu.memory_space<vmem>>, %arg11: memref<1x20480xf32, #tpu.memory_space<vmem>>, %arg12: memref<128x1xf32, #tpu.memory_space<vmem>>, %arg13: memref<128x1xf32, #tpu.memory_space<vmem>>, %arg14: memref<128x1xf32, #tpu.memory_space<vmem>>, %arg15: memref<128x1xf32, #tpu.memory_space<vmem>>, %arg16: memref<128x1xf32, #tpu.memory_space<vmem>>) attributes {dimension_semantics = [#tpu.dimension_semantics<arbitrary>], iteration_bounds = array<i64: 160>, scalar_prefetch = 0 : i64, scratch_operands = 10 : i64, tpu.core_type = #tpu.core_type<tc>, window_params = [{pipeline_mode = #tpu.pipeline_mode<synchronous>, transform_indices = @transform_0, window_bounds = array<i64: 1, 20480>}, {pipeline_mode = #tpu.pipeline_mode<synchronous>, transform_indices = @transform_1, window_bounds = array<i64: 1, 20480>}, {pipeline_mode = #tpu.pipeline_mode<synchronous>, transform_indices = @transform_2, window_bounds = array<i64: 1, 20480>}, {pipeline_mode = #tpu.pipeline_mode<synchronous>, transform_indices = @transform_3, window_bounds = array<i64: 1, 20480>}, {pipeline_mode = #tpu.pipeline_mode<synchronous>, transform_indices = @transform_4, window_bounds = array<i64: 1, 20480>}, {pipeline_mode = #tpu.pipeline_mode<synchronous>, transform_indices = @transform_5, window_bounds = array<i64: 1, 20480>}]} {
    %mul3A = arith.constant 128 : i32
    %mul3A_0 = arith.muli %arg0, %mul3A : i32
    %eq3A = arith.constant 0 : i32
    %eq3A_1 = arith.cmpi eq, %arg0, %eq3A : i32
    %convert_element_type3A = arith.extui %eq3A_1 : i1 to i32
    %cond3A = arith.constant 0 : i32
    %cond3A_2 = arith.cmpi ne, %convert_element_type3A, %cond3A : i32
    scf.if %cond3A_2 {
      %broadcast_in_dim3A_132 = arith.constant 2.000000e+09 : f32
      %broadcast_in_dim3A_133 = vector.broadcast %broadcast_in_dim3A_132 : f32 to vector<1x20480xf32>
      %swap3A_134 = arith.constant 0 : index
      %swap3A_135 = arith.constant 0 : index
      %swap3A_136 = vector.load %arg7[%swap3A_134, %swap3A_135] : memref<1x20480xf32, #tpu.memory_space<vmem>>, vector<1x20480xf32>
      tpu.vector_store %arg7[%swap3A_134, %swap3A_135], %broadcast_in_dim3A_133 {strides = array<i32>} : memref<1x20480xf32, #tpu.memory_space<vmem>>, vector<1x20480xf32>,
      %broadcast_in_dim3A_137 = arith.constant 2.000000e+09 : f32
      %broadcast_in_dim3A_138 = vector.broadcast %broadcast_in_dim3A_137 : f32 to vector<1x20480xf32>
      %swap3A_139 = arith.constant 0 : index
      %swap3A_140 = arith.constant 0 : index
      %swap3A_141 = vector.load %arg8[%swap3A_139, %swap3A_140] : memref<1x20480xf32, #tpu.memory_space<vmem>>, vector<1x20480xf32>
      tpu.vector_store %arg8[%swap3A_139, %swap3A_140], %broadcast_in_dim3A_138 {strides = array<i32>} : memref<1x20480xf32, #tpu.memory_space<vmem>>, vector<1x20480xf32>,
      %broadcast_in_dim3A_142 = arith.constant 2.000000e+09 : f32
      %broadcast_in_dim3A_143 = vector.broadcast %broadcast_in_dim3A_142 : f32 to vector<1x20480xf32>
      %swap3A_144 = arith.constant 0 : index
      %swap3A_145 = arith.constant 0 : index
      %swap3A_146 = vector.load %arg9[%swap3A_144, %swap3A_145] : memref<1x20480xf32, #tpu.memory_space<vmem>>, vector<1x20480xf32>
      tpu.vector_store %arg9[%swap3A_144, %swap3A_145], %broadcast_in_dim3A_143 {strides = array<i32>} : memref<1x20480xf32, #tpu.memory_space<vmem>>, vector<1x20480xf32>,
      %broadcast_in_dim3A_147 = arith.constant 2.000000e+09 : f32
      %broadcast_in_dim3A_148 = vector.broadcast %broadcast_in_dim3A_147 : f32 to vector<1x20480xf32>
      %swap3A_149 = arith.constant 0 : index
      %swap3A_150 = arith.constant 0 : index
      %swap3A_151 = vector.load %arg10[%swap3A_149, %swap3A_150] : memref<1x20480xf32, #tpu.memory_space<vmem>>, vector<1x20480xf32>
      tpu.vector_store %arg10[%swap3A_149, %swap3A_150], %broadcast_in_dim3A_148 {strides = array<i32>} : memref<1x20480xf32, #tpu.memory_space<vmem>>, vector<1x20480xf32>,
      %broadcast_in_dim3A_152 = arith.constant 0.000000e+00 : f32
      %broadcast_in_dim3A_153 = vector.broadcast %broadcast_in_dim3A_152 : f32 to vector<1x20480xf32>
      %swap3A_154 = arith.constant 0 : index
      %swap3A_155 = arith.constant 0 : index
      %swap3A_156 = vector.load %arg11[%swap3A_154, %swap3A_155] : memref<1x20480xf32, #tpu.memory_space<vmem>>, vector<1x20480xf32>
      tpu.vector_store %arg11[%swap3A_154, %swap3A_155], %broadcast_in_dim3A_153 {strides = array<i32>} : memref<1x20480xf32, #tpu.memory_space<vmem>>, vector<1x20480xf32>,
    } else {
    }
    %get3A = arith.constant 0 : index
    %get3A_3 = arith.index_cast %mul3A_0 : i32 to index
    %get3A_4 = vector.load %arg1[%get3A, %get3A_3] : memref<1x20480xf32, #tpu.memory_space<vmem>>, vector<1x128xf32>
    %reshape3A = vector.shape_cast %get3A_4 : vector<1x128xf32> to vector<128x1xf32>
    %get3A_5 = arith.constant 0 : index
    %get3A_6 = arith.index_cast %mul3A_0 : i32 to index
    %get3A_7 = vector.load %arg2[%get3A_5, %get3A_6] : memref<1x20480xf32, #tpu.memory_space<vmem>>, vector<1x128xf32>
    %reshape3A_8 = vector.shape_cast %get3A_7 : vector<1x128xf32> to vector<128x1xf32>
    %get3A_9 = arith.constant 0 : index
    %get3A_10 = arith.index_cast %mul3A_0 : i32 to index
    %get3A_11 = vector.load %arg3[%get3A_9, %get3A_10] : memref<1x20480xf32, #tpu.memory_space<vmem>>, vector<1x128xf32>
    %reshape3A_12 = vector.shape_cast %get3A_11 : vector<1x128xf32> to vector<128x1xf32>
    %get3A_13 = arith.constant 0 : index
    %get3A_14 = arith.index_cast %mul3A_0 : i32 to index
    %get3A_15 = vector.load %arg4[%get3A_13, %get3A_14] : memref<1x20480xf32, #tpu.memory_space<vmem>>, vector<1x128xf32>
    %reshape3A_16 = vector.shape_cast %get3A_15 : vector<1x128xf32> to vector<128x1xf32>
    %get3A_17 = arith.constant 0 : index
    %get3A_18 = arith.index_cast %mul3A_0 : i32 to index
    %get3A_19 = vector.load %arg5[%get3A_17, %get3A_18] : memref<1x20480xf32, #tpu.memory_space<vmem>>, vector<1x128xf32>
    %reshape3A_20 = vector.shape_cast %get3A_19 : vector<1x128xf32> to vector<128x1xf32>
    %swap3A = arith.constant 0 : index
    %swap3A_21 = arith.constant 0 : index
    %swap3A_22 = vector.load %arg12[%swap3A, %swap3A_21] : memref<128x1xf32, #tpu.memory_space<vmem>>, vector<128x1xf32>
    tpu.vector_store %arg12[%swap3A, %swap3A_21], %reshape3A {strides = array<i32>} : memref<128x1xf32, #tpu.memory_space<vmem>>, vector<128x1xf32>,
    %swap3A_23 = arith.constant 0 : index
    %swap3A_24 = arith.constant 0 : index
    %swap3A_25 = vector.load %arg13[%swap3A_23, %swap3A_24] : memref<128x1xf32, #tpu.memory_space<vmem>>, vector<128x1xf32>
    tpu.vector_store %arg13[%swap3A_23, %swap3A_24], %reshape3A_8 {strides = array<i32>} : memref<128x1xf32, #tpu.memory_space<vmem>>, vector<128x1xf32>,
    %swap3A_26 = arith.constant 0 : index
    %swap3A_27 = arith.constant 0 : index
    %swap3A_28 = vector.load %arg14[%swap3A_26, %swap3A_27] : memref<128x1xf32, #tpu.memory_space<vmem>>, vector<128x1xf32>
    tpu.vector_store %arg14[%swap3A_26, %swap3A_27], %reshape3A_12 {strides = array<i32>} : memref<128x1xf32, #tpu.memory_space<vmem>>, vector<128x1xf32>,
    %swap3A_29 = arith.constant 0 : index
    %swap3A_30 = arith.constant 0 : index
    %swap3A_31 = vector.load %arg15[%swap3A_29, %swap3A_30] : memref<128x1xf32, #tpu.memory_space<vmem>>, vector<128x1xf32>
    tpu.vector_store %arg15[%swap3A_29, %swap3A_30], %reshape3A_16 {strides = array<i32>} : memref<128x1xf32, #tpu.memory_space<vmem>>, vector<128x1xf32>,
    %swap3A_32 = arith.constant 0 : index
    %swap3A_33 = arith.constant 0 : index
    %swap3A_34 = vector.load %arg16[%swap3A_32, %swap3A_33] : memref<128x1xf32, #tpu.memory_space<vmem>>, vector<128x1xf32>
    tpu.vector_store %arg16[%swap3A_32, %swap3A_33], %reshape3A_20 {strides = array<i32>} : memref<128x1xf32, #tpu.memory_space<vmem>>, vector<128x1xf32>,
    %mul3A_35 = arith.constant 128 : i32
    %mul3A_36 = arith.muli %arg0, %mul3A_35 : i32
    %add3A = arith.constant 1024 : i32
    %add3A_37 = arith.addi %mul3A_36, %add3A : i32
    %sub3A = arith.constant 1 : i32
    %sub3A_38 = arith.subi %add3A_37, %sub3A : i32
    %jit3A = arith.constant 1024 : i32
    %div3A = arith.divsi %sub3A_38, %jit3A : i32
    %sign3A = arith.constant 0 : i32
    %sign3A_39 = arith.cmpi sgt, %sub3A_38, %sign3A : i32
    %sign3A_40 = arith.extui %sign3A_39 : i1 to i32
    %sign3A_41 = arith.constant 0 : i32
    %sign3A_42 = arith.cmpi slt, %sub3A_38, %sign3A_41 : i32
    %sign3A_43 = arith.extui %sign3A_42 : i1 to i32
    %sign3A_44 = arith.subi %sign3A_40, %sign3A_43 : i32
    %sign3A_45 = arith.constant 0 : i32
    %sign3A_46 = arith.cmpi sgt, %jit3A, %sign3A_45 : i32
    %sign3A_47 = arith.extui %sign3A_46 : i1 to i32
    %sign3A_48 = arith.constant 0 : i32
    %sign3A_49 = arith.cmpi slt, %jit3A, %sign3A_48 : i32
    %sign3A_50 = arith.extui %sign3A_49 : i1 to i32
    %sign3A_51 = arith.subi %sign3A_47, %sign3A_50 : i32
    %ne3A = arith.cmpi ne, %sign3A_44, %sign3A_51 : i32
    %rem3A = arith.remsi %sub3A_38, %jit3A : i32
    %ne3A_52 = arith.constant 0 : i32
    %ne3A_53 = arith.cmpi ne, %rem3A, %ne3A_52 : i32
    %and3A = arith.andi %ne3A, %ne3A_53 : i1
    %sub3A_54 = arith.constant 1 : i32
    %sub3A_55 = arith.subi %div3A, %sub3A_54 : i32
    %select_n3A = arith.select %and3A, %sub3A_55, %div3A : i32
    %broadcast_in_dim3A = arith.constant 0.000000e+00 : f32
    %broadcast_in_dim3A_56 = vector.broadcast %broadcast_in_dim3A : f32 to vector<1x128xf32>
    %while3A = arith.constant 0 : i32
    %while3A_57 = arith.subi %select_n3A, %while3A : i32
    %while3A_58 = arith.addi %while3A, %while3A_57 : i32
    %while3A_59 = arith.constant 1 : i32
    %while3A_60 = arith.divsi %while3A_57, %while3A_59 : i32
    %while3A_61 = arith.muli %while3A_60, %while3A_59 : i32
    %while3A_62 = arith.addi %while3A, %while3A_61 : i32
    %while3A_63 = arith.constant 1 : i32
    %while3A_64 = scf.for %while3A_132 = %while3A to %while3A_62 step %while3A_63 iter_args(%while3A_133 = %broadcast_in_dim3A_56) -> (vector<1x128xf32>)  : i32 {
      %mul3A_134 = arith.constant 1024 : i32
      %mul3A_135 = arith.muli %while3A_132, %mul3A_134 : i32
      %get3A_136 = arith.constant 0 : index
      %get3A_137 = arith.index_cast %mul3A_135 : i32 to index
      %get3A_138 = vector.load %arg7[%get3A_136, %get3A_137] : memref<1x20480xf32, #tpu.memory_space<vmem>>, vector<1x1024xf32>
      %get3A_139 = arith.constant 0 : index
      %get3A_140 = arith.index_cast %mul3A_135 : i32 to index
      %get3A_141 = vector.load %arg8[%get3A_139, %get3A_140] : memref<1x20480xf32, #tpu.memory_space<vmem>>, vector<1x1024xf32>
      %get3A_142 = arith.constant 0 : index
      %get3A_143 = arith.index_cast %mul3A_135 : i32 to index
      %get3A_144 = vector.load %arg9[%get3A_142, %get3A_143] : memref<1x20480xf32, #tpu.memory_space<vmem>>, vector<1x1024xf32>
      %get3A_145 = arith.constant 0 : index
      %get3A_146 = arith.index_cast %mul3A_135 : i32 to index
      %get3A_147 = vector.load %arg10[%get3A_145, %get3A_146] : memref<1x20480xf32, #tpu.memory_space<vmem>>, vector<1x1024xf32>
      %get3A_148 = arith.constant 0 : index
      %get3A_149 = arith.index_cast %mul3A_135 : i32 to index
      %get3A_150 = vector.load %arg11[%get3A_148, %get3A_149] : memref<1x20480xf32, #tpu.memory_space<vmem>>, vector<1x1024xf32>
      %min3A = vector.broadcast %reshape3A_12 : vector<128x1xf32> to vector<128x1024xf32>
      %min3A_151 = vector.broadcast %get3A_144 : vector<1x1024xf32> to vector<128x1024xf32>
      %min3A_152 = arith.minimumf %min3A, %min3A_151 : vector<128x1024xf32>
      %max3A = vector.broadcast %reshape3A : vector<128x1xf32> to vector<128x1024xf32>
      %max3A_153 = vector.broadcast %get3A_138 : vector<1x1024xf32> to vector<128x1024xf32>
      %max3A_154 = arith.maximumf %max3A, %max3A_153 : vector<128x1024xf32>
      %sub3A_155 = arith.subf %min3A_152, %max3A_154 : vector<128x1024xf32>
      %max3A_156 = arith.constant 0.000000e+00 : f32
      %max3A_157 = vector.broadcast %max3A_156 : f32 to vector<128x1024xf32>
      %max3A_158 = arith.maximumf %sub3A_155, %max3A_157 : vector<128x1024xf32>
      %min3A_159 = vector.broadcast %reshape3A_16 : vector<128x1xf32> to vector<128x1024xf32>
      %min3A_160 = vector.broadcast %get3A_147 : vector<1x1024xf32> to vector<128x1024xf32>
      %min3A_161 = arith.minimumf %min3A_159, %min3A_160 : vector<128x1024xf32>
      %max3A_162 = vector.broadcast %reshape3A_8 : vector<128x1xf32> to vector<128x1024xf32>
      %max3A_163 = vector.broadcast %get3A_141 : vector<1x1024xf32> to vector<128x1024xf32>
      %max3A_164 = arith.maximumf %max3A_162, %max3A_163 : vector<128x1024xf32>
      %sub3A_165 = arith.subf %min3A_161, %max3A_164 : vector<128x1024xf32>
      %max3A_166 = arith.constant 0.000000e+00 : f32
      %max3A_167 = vector.broadcast %max3A_166 : f32 to vector<128x1024xf32>
      %max3A_168 = arith.maximumf %sub3A_165, %max3A_167 : vector<128x1024xf32>
      %mul3A_169 = arith.mulf %max3A_158, %max3A_168 : vector<128x1024xf32>
      %add3A_170 = vector.broadcast %get3A_150 : vector<1x1024xf32> to vector<128x1024xf32>
      %add3A_171 = vector.broadcast %reshape3A_20 : vector<128x1xf32> to vector<128x1024xf32>
      %add3A_172 = arith.addf %add3A_170, %add3A_171 : vector<128x1024xf32>
      %sub3A_173 = arith.subf %add3A_172, %mul3A_169 : vector<128x1024xf32>
      %add3A_174 = arith.constant 9.99999971E-10 : f32
      %add3A_175 = vector.broadcast %add3A_174 : f32 to vector<128x1024xf32>
      %add3A_176 = arith.addf %sub3A_173, %add3A_175 : vector<128x1024xf32>
      %div3A_177 = arith.divf %mul3A_169, %add3A_176 : vector<128x1024xf32>
      %reduce_max3A = arith.constant dense<0xFF800000> : vector<128xf32>
      %reduce_max3A_178 = vector.multi_reduction <maximumf>, %div3A_177, %reduce_max3A [1] : vector<128x1024xf32> to vector<128xf32>
      %broadcast_in_dim3A_179 = vector.shape_cast %reduce_max3A_178 : vector<128xf32> to vector<128x1xf32>
      %reshape3A_180 = vector.shape_cast %broadcast_in_dim3A_179 : vector<128x1xf32> to vector<1x128xf32>
      %max3A_181 = arith.maximumf %while3A_133, %reshape3A_180 : vector<1x128xf32>
      scf.yield %max3A_181 : vector<1x128xf32>
    }
    %while3A_65 = arith.constant 1 : i32
    %while3A_66 = scf.for %while3A_132 = %while3A_62 to %while3A_58 step %while3A_65 iter_args(%while3A_133 = %while3A_64) -> (vector<1x128xf32>)  : i32 {
      %mul3A_134 = arith.constant 1024 : i32
      %mul3A_135 = arith.muli %while3A_132, %mul3A_134 : i32
      %get3A_136 = arith.constant 0 : index
      %get3A_137 = arith.index_cast %mul3A_135 : i32 to index
      %get3A_138 = vector.load %arg7[%get3A_136, %get3A_137] : memref<1x20480xf32, #tpu.memory_space<vmem>>, vector<1x1024xf32>
      %get3A_139 = arith.constant 0 : index
      %get3A_140 = arith.index_cast %mul3A_135 : i32 to index
      %get3A_141 = vector.load %arg8[%get3A_139, %get3A_140] : memref<1x20480xf32, #tpu.memory_space<vmem>>, vector<1x1024xf32>
      %get3A_142 = arith.constant 0 : index
      %get3A_143 = arith.index_cast %mul3A_135 : i32 to index
      %get3A_144 = vector.load %arg9[%get3A_142, %get3A_143] : memref<1x20480xf32, #tpu.memory_space<vmem>>, vector<1x1024xf32>
      %get3A_145 = arith.constant 0 : index
      %get3A_146 = arith.index_cast %mul3A_135 : i32 to index
      %get3A_147 = vector.load %arg10[%get3A_145, %get3A_146] : memref<1x20480xf32, #tpu.memory_space<vmem>>, vector<1x1024xf32>
      %get3A_148 = arith.constant 0 : index
      %get3A_149 = arith.index_cast %mul3A_135 : i32 to index
      %get3A_150 = vector.load %arg11[%get3A_148, %get3A_149] : memref<1x20480xf32, #tpu.memory_space<vmem>>, vector<1x1024xf32>
      %min3A = vector.broadcast %reshape3A_12 : vector<128x1xf32> to vector<128x1024xf32>
      %min3A_151 = vector.broadcast %get3A_144 : vector<1x1024xf32> to vector<128x1024xf32>
      %min3A_152 = arith.minimumf %min3A, %min3A_151 : vector<128x1024xf32>
      %max3A = vector.broadcast %reshape3A : vector<128x1xf32> to vector<128x1024xf32>
      %max3A_153 = vector.broadcast %get3A_138 : vector<1x1024xf32> to vector<128x1024xf32>
      %max3A_154 = arith.maximumf %max3A, %max3A_153 : vector<128x1024xf32>
      %sub3A_155 = arith.subf %min3A_152, %max3A_154 : vector<128x1024xf32>
      %max3A_156 = arith.constant 0.000000e+00 : f32
      %max3A_157 = vector.broadcast %max3A_156 : f32 to vector<128x1024xf32>
      %max3A_158 = arith.maximumf %sub3A_155, %max3A_157 : vector<128x1024xf32>
      %min3A_159 = vector.broadcast %reshape3A_16 : vector<128x1xf32> to vector<128x1024xf32>
      %min3A_160 = vector.broadcast %get3A_147 : vector<1x1024xf32> to vector<128x1024xf32>
      %min3A_161 = arith.minimumf %min3A_159, %min3A_160 : vector<128x1024xf32>
      %max3A_162 = vector.broadcast %reshape3A_8 : vector<128x1xf32> to vector<128x1024xf32>
      %max3A_163 = vector.broadcast %get3A_141 : vector<1x1024xf32> to vector<128x1024xf32>
      %max3A_164 = arith.maximumf %max3A_162, %max3A_163 : vector<128x1024xf32>
      %sub3A_165 = arith.subf %min3A_161, %max3A_164 : vector<128x1024xf32>
      %max3A_166 = arith.constant 0.000000e+00 : f32
      %max3A_167 = vector.broadcast %max3A_166 : f32 to vector<128x1024xf32>
      %max3A_168 = arith.maximumf %sub3A_165, %max3A_167 : vector<128x1024xf32>
      %mul3A_169 = arith.mulf %max3A_158, %max3A_168 : vector<128x1024xf32>
      %add3A_170 = vector.broadcast %get3A_150 : vector<1x1024xf32> to vector<128x1024xf32>
      %add3A_171 = vector.broadcast %reshape3A_20 : vector<128x1xf32> to vector<128x1024xf32>
      %add3A_172 = arith.addf %add3A_170, %add3A_171 : vector<128x1024xf32>
      %sub3A_173 = arith.subf %add3A_172, %mul3A_169 : vector<128x1024xf32>
      %add3A_174 = arith.constant 9.99999971E-10 : f32
      %add3A_175 = vector.broadcast %add3A_174 : f32 to vector<128x1024xf32>
      %add3A_176 = arith.addf %sub3A_173, %add3A_175 : vector<128x1024xf32>
      %div3A_177 = arith.divf %mul3A_169, %add3A_176 : vector<128x1024xf32>
      %reduce_max3A = arith.constant dense<0xFF800000> : vector<128xf32>
      %reduce_max3A_178 = vector.multi_reduction <maximumf>, %div3A_177, %reduce_max3A [1] : vector<128x1024xf32> to vector<128xf32>
      %broadcast_in_dim3A_179 = vector.shape_cast %reduce_max3A_178 : vector<128xf32> to vector<128x1xf32>
      %reshape3A_180 = vector.shape_cast %broadcast_in_dim3A_179 : vector<128x1xf32> to vector<1x128xf32>
      %max3A_181 = arith.maximumf %while3A_133, %reshape3A_180 : vector<1x128xf32>
      scf.yield %max3A_181 : vector<1x128xf32>
    }
    %gt3A = arith.constant 5.000000e-01 : f32
    %gt3A_67 = vector.broadcast %gt3A : f32 to vector<1x128xf32>
    %gt3A_68 = arith.cmpf ogt, %while3A_66, %gt3A_67 : vector<1x128xf32>
    %jit3A_69 = arith.constant 0.000000e+00 : f32
    %jit3A_70 = arith.constant 1.000000e+00 : f32
    %broadcast_in_dim3A_71 = vector.broadcast %jit3A_69 : f32 to vector<1x128xf32>
    %broadcast_in_dim3A_72 = vector.broadcast %jit3A_70 : f32 to vector<1x128xf32>
    %select_n3A_73 = arith.select %gt3A_68, %broadcast_in_dim3A_71, %broadcast_in_dim3A_72 : vector<1x128xi1>, vector<1x128xf32>
    %get3A_74 = arith.constant 0 : index
    %get3A_75 = arith.index_cast %mul3A_0 : i32 to index
    %get3A_76 = vector.load %arg1[%get3A_74, %get3A_75] : memref<1x20480xf32, #tpu.memory_space<vmem>>, vector<1x128xf32>
    %get3A_77 = arith.constant 0 : index
    %get3A_78 = arith.index_cast %mul3A_0 : i32 to index
    %get3A_79 = vector.load %arg2[%get3A_77, %get3A_78] : memref<1x20480xf32, #tpu.memory_space<vmem>>, vector<1x128xf32>
    %get3A_80 = arith.constant 0 : index
    %get3A_81 = arith.index_cast %mul3A_0 : i32 to index
    %get3A_82 = vector.load %arg3[%get3A_80, %get3A_81] : memref<1x20480xf32, #tpu.memory_space<vmem>>, vector<1x128xf32>
    %get3A_83 = arith.constant 0 : index
    %get3A_84 = arith.index_cast %mul3A_0 : i32 to index
    %get3A_85 = vector.load %arg4[%get3A_83, %get3A_84] : memref<1x20480xf32, #tpu.memory_space<vmem>>, vector<1x128xf32>
    %get3A_86 = arith.constant 0 : index
    %get3A_87 = arith.index_cast %mul3A_0 : i32 to index
    %get3A_88 = vector.load %arg5[%get3A_86, %get3A_87] : memref<1x20480xf32, #tpu.memory_space<vmem>>, vector<1x128xf32>
    %iota3A = tpu.iota {dimensions = array<i32: 1>} : vector<1x128xi32>
    %iota3A_89 = tpu.iota {dimensions = array<i32: 1>} : vector<1x8xi32>
    %iota3A_90 = tpu.iota {dimensions = array<i32: 0>} : vector<8x1xi32>
    %scan3A = arith.constant 0 : i32
    %scan3A_91 = arith.constant 16 : i32
    %scan3A_92 = arith.addi %scan3A, %scan3A_91 : i32
    %scan3A_93 = arith.constant 1 : i32
    %scan3A_94 = scf.for %scan3A_132 = %scan3A to %scan3A_92 step %scan3A_93 iter_args(%scan3A_133 = %select_n3A_73) -> (vector<1x128xf32>)  : i32 {
      %mul3A_134 = arith.constant 8 : i32
      %mul3A_135 = arith.muli %scan3A_132, %mul3A_134 : i32
      %get3A_136 = arith.index_cast %mul3A_135 : i32 to index
      %get3A_137 = arith.constant 0 : index
      %get3A_138 = vector.load %arg12[%get3A_136, %get3A_137] : memref<128x1xf32, #tpu.memory_space<vmem>>, vector<8x1xf32>
      %get3A_139 = arith.index_cast %mul3A_135 : i32 to index
      %get3A_140 = arith.constant 0 : index
      %get3A_141 = vector.load %arg13[%get3A_139, %get3A_140] : memref<128x1xf32, #tpu.memory_space<vmem>>, vector<8x1xf32>
      %get3A_142 = arith.index_cast %mul3A_135 : i32 to index
      %get3A_143 = arith.constant 0 : index
      %get3A_144 = vector.load %arg14[%get3A_142, %get3A_143] : memref<128x1xf32, #tpu.memory_space<vmem>>, vector<8x1xf32>
      %get3A_145 = arith.index_cast %mul3A_135 : i32 to index
      %get3A_146 = arith.constant 0 : index
      %get3A_147 = vector.load %arg15[%get3A_145, %get3A_146] : memref<128x1xf32, #tpu.memory_space<vmem>>, vector<8x1xf32>
      %get3A_148 = arith.index_cast %mul3A_135 : i32 to index
      %get3A_149 = arith.constant 0 : index
      %get3A_150 = vector.load %arg16[%get3A_148, %get3A_149] : memref<128x1xf32, #tpu.memory_space<vmem>>, vector<8x1xf32>
      %min3A = vector.broadcast %get3A_144 : vector<8x1xf32> to vector<8x128xf32>
      %min3A_151 = vector.broadcast %get3A_82 : vector<1x128xf32> to vector<8x128xf32>
      %min3A_152 = arith.minimumf %min3A, %min3A_151 : vector<8x128xf32>
      %max3A = vector.broadcast %get3A_138 : vector<8x1xf32> to vector<8x128xf32>
      %max3A_153 = vector.broadcast %get3A_76 : vector<1x128xf32> to vector<8x128xf32>
      %max3A_154 = arith.maximumf %max3A, %max3A_153 : vector<8x128xf32>
      %sub3A_155 = arith.subf %min3A_152, %max3A_154 : vector<8x128xf32>
      %max3A_156 = arith.constant 0.000000e+00 : f32
      %max3A_157 = vector.broadcast %max3A_156 : f32 to vector<8x128xf32>
      %max3A_158 = arith.maximumf %sub3A_155, %max3A_157 : vector<8x128xf32>
      %min3A_159 = vector.broadcast %get3A_147 : vector<8x1xf32> to vector<8x128xf32>
      %min3A_160 = vector.broadcast %get3A_85 : vector<1x128xf32> to vector<8x128xf32>
      %min3A_161 = arith.minimumf %min3A_159, %min3A_160 : vector<8x128xf32>
      %max3A_162 = vector.broadcast %get3A_141 : vector<8x1xf32> to vector<8x128xf32>
      %max3A_163 = vector.broadcast %get3A_79 : vector<1x128xf32> to vector<8x128xf32>
      %max3A_164 = arith.maximumf %max3A_162, %max3A_163 : vector<8x128xf32>
      %sub3A_165 = arith.subf %min3A_161, %max3A_164 : vector<8x128xf32>
      %max3A_166 = arith.constant 0.000000e+00 : f32
      %max3A_167 = vector.broadcast %max3A_166 : f32 to vector<8x128xf32>
      %max3A_168 = arith.maximumf %sub3A_165, %max3A_167 : vector<8x128xf32>
      %mul3A_169 = arith.mulf %max3A_158, %max3A_168 : vector<8x128xf32>
      %add3A_170 = vector.broadcast %get3A_150 : vector<8x1xf32> to vector<8x128xf32>
      %add3A_171 = vector.broadcast %get3A_88 : vector<1x128xf32> to vector<8x128xf32>
      %add3A_172 = arith.addf %add3A_170, %add3A_171 : vector<8x128xf32>
      %sub3A_173 = arith.subf %add3A_172, %mul3A_169 : vector<8x128xf32>
      %add3A_174 = arith.constant 9.99999971E-10 : f32
      %add3A_175 = vector.broadcast %add3A_174 : f32 to vector<8x128xf32>
      %add3A_176 = arith.addf %sub3A_173, %add3A_175 : vector<8x128xf32>
      %div3A_177 = arith.divf %mul3A_169, %add3A_176 : vector<8x128xf32>
      %reshape3A_178 = vector.shape_cast %get3A_138 : vector<8x1xf32> to vector<1x8xf32>
      %reshape3A_179 = vector.shape_cast %get3A_141 : vector<8x1xf32> to vector<1x8xf32>
      %reshape3A_180 = vector.shape_cast %get3A_144 : vector<8x1xf32> to vector<1x8xf32>
      %reshape3A_181 = vector.shape_cast %get3A_147 : vector<8x1xf32> to vector<1x8xf32>
      %reshape3A_182 = vector.shape_cast %get3A_150 : vector<8x1xf32> to vector<1x8xf32>
      %min3A_183 = vector.broadcast %get3A_144 : vector<8x1xf32> to vector<8x8xf32>
      %min3A_184 = vector.broadcast %reshape3A_180 : vector<1x8xf32> to vector<8x8xf32>
      %min3A_185 = arith.minimumf %min3A_183, %min3A_184 : vector<8x8xf32>
      %max3A_186 = vector.broadcast %get3A_138 : vector<8x1xf32> to vector<8x8xf32>
      %max3A_187 = vector.broadcast %reshape3A_178 : vector<1x8xf32> to vector<8x8xf32>
      %max3A_188 = arith.maximumf %max3A_186, %max3A_187 : vector<8x8xf32>
      %sub3A_189 = arith.subf %min3A_185, %max3A_188 : vector<8x8xf32>
      %max3A_190 = arith.constant 0.000000e+00 : f32
      %max3A_191 = vector.broadcast %max3A_190 : f32 to vector<8x8xf32>
      %max3A_192 = arith.maximumf %sub3A_189, %max3A_191 : vector<8x8xf32>
      %min3A_193 = vector.broadcast %get3A_147 : vector<8x1xf32> to vector<8x8xf32>
      %min3A_194 = vector.broadcast %reshape3A_181 : vector<1x8xf32> to vector<8x8xf32>
      %min3A_195 = arith.minimumf %min3A_193, %min3A_194 : vector<8x8xf32>
      %max3A_196 = vector.broadcast %get3A_141 : vector<8x1xf32> to vector<8x8xf32>
      %max3A_197 = vector.broadcast %reshape3A_179 : vector<1x8xf32> to vector<8x8xf32>
      %max3A_198 = arith.maximumf %max3A_196, %max3A_197 : vector<8x8xf32>
      %sub3A_199 = arith.subf %min3A_195, %max3A_198 : vector<8x8xf32>
      %max3A_200 = arith.constant 0.000000e+00 : f32
      %max3A_201 = vector.broadcast %max3A_200 : f32 to vector<8x8xf32>
      %max3A_202 = arith.maximumf %sub3A_199, %max3A_201 : vector<8x8xf32>
      %mul3A_203 = arith.mulf %max3A_192, %max3A_202 : vector<8x8xf32>
      %add3A_204 = vector.broadcast %get3A_150 : vector<8x1xf32> to vector<8x8xf32>
      %add3A_205 = vector.broadcast %reshape3A_182 : vector<1x8xf32> to vector<8x8xf32>
      %add3A_206 = arith.addf %add3A_204, %add3A_205 : vector<8x8xf32>
      %sub3A_207 = arith.subf %add3A_206, %mul3A_203 : vector<8x8xf32>
      %add3A_208 = arith.constant 9.99999971E-10 : f32
      %add3A_209 = vector.broadcast %add3A_208 : f32 to vector<8x8xf32>
      %add3A_210 = arith.addf %sub3A_207, %add3A_209 : vector<8x8xf32>
      %div3A_211 = arith.divf %mul3A_203, %add3A_210 : vector<8x8xf32>
      %gt3A_212 = arith.constant 5.000000e-01 : f32
      %gt3A_213 = vector.broadcast %gt3A_212 : f32 to vector<8x8xf32>
      %gt3A_214 = arith.cmpf ogt, %div3A_211, %gt3A_213 : vector<8x8xf32>
      %gt3A_215 = vector.broadcast %iota3A_89 : vector<1x8xi32> to vector<8x8xi32>
      %gt3A_216 = vector.broadcast %iota3A_90 : vector<8x1xi32> to vector<8x8xi32>
      %gt3A_217 = arith.cmpi sgt, %gt3A_215, %gt3A_216 : vector<8x8xi32>
      %and3A_218 = arith.andi %gt3A_214, %gt3A_217 : vector<8x8xi1>
      %jit3A_219 = arith.constant 1.000000e+00 : f32
      %jit3A_220 = arith.constant 0.000000e+00 : f32
      %broadcast_in_dim3A_221 = vector.broadcast %jit3A_219 : f32 to vector<8x8xf32>
      %broadcast_in_dim3A_222 = vector.broadcast %jit3A_220 : f32 to vector<8x8xf32>
      %select_n3A_223 = arith.select %and3A_218, %broadcast_in_dim3A_221, %broadcast_in_dim3A_222 : vector<8x8xi1>, vector<8x8xf32>
      %add3A_224 = arith.constant 0 : i32
      %add3A_225 = arith.addi %mul3A_135, %add3A_224 : i32
      %eq3A_226 = vector.broadcast %add3A_225 : i32 to vector<1x128xi32>
      %eq3A_227 = arith.cmpi eq, %iota3A, %eq3A_226 : vector<1x128xi32>
      %jit3A_228 = arith.constant 0.000000e+00 : f32
      %broadcast_in_dim3A_229 = vector.broadcast %jit3A_228 : f32 to vector<1x128xf32>
      %select_n3A_230 = arith.select %eq3A_227, %scan3A_133, %broadcast_in_dim3A_229 : vector<1x128xi1>, vector<1x128xf32>
      %reduce_max3A = arith.constant dense<0xFF800000> : vector<1xf32>
      %reduce_max3A_231 = vector.multi_reduction <maximumf>, %select_n3A_230, %reduce_max3A [1] : vector<1x128xf32> to vector<1xf32>
      %broadcast_in_dim3A_232 = vector.shape_cast %reduce_max3A_231 : vector<1xf32> to vector<1x1xf32>
      %add3A_233 = arith.constant 1 : i32
      %add3A_234 = arith.addi %mul3A_135, %add3A_233 : i32
      %eq3A_235 = vector.broadcast %add3A_234 : i32 to vector<1x128xi32>
      %eq3A_236 = arith.cmpi eq, %iota3A, %eq3A_235 : vector<1x128xi32>
      %jit3A_237 = arith.constant 0.000000e+00 : f32
      %broadcast_in_dim3A_238 = vector.broadcast %jit3A_237 : f32 to vector<1x128xf32>
      %select_n3A_239 = arith.select %eq3A_236, %scan3A_133, %broadcast_in_dim3A_238 : vector<1x128xi1>, vector<1x128xf32>
      %reduce_max3A_240 = arith.constant dense<0xFF800000> : vector<1xf32>
      %reduce_max3A_241 = vector.multi_reduction <maximumf>, %select_n3A_239, %reduce_max3A_240 [1] : vector<1x128xf32> to vector<1xf32>
      %broadcast_in_dim3A_242 = vector.shape_cast %reduce_max3A_241 : vector<1xf32> to vector<1x1xf32>
      %add3A_243 = arith.constant 2 : i32
      %add3A_244 = arith.addi %mul3A_135, %add3A_243 : i32
      %eq3A_245 = vector.broadcast %add3A_244 : i32 to vector<1x128xi32>
      %eq3A_246 = arith.cmpi eq, %iota3A, %eq3A_245 : vector<1x128xi32>
      %jit3A_247 = arith.constant 0.000000e+00 : f32
      %broadcast_in_dim3A_248 = vector.broadcast %jit3A_247 : f32 to vector<1x128xf32>
      %select_n3A_249 = arith.select %eq3A_246, %scan3A_133, %broadcast_in_dim3A_248 : vector<1x128xi1>, vector<1x128xf32>
      %reduce_max3A_250 = arith.constant dense<0xFF800000> : vector<1xf32>
      %reduce_max3A_251 = vector.multi_reduction <maximumf>, %select_n3A_249, %reduce_max3A_250 [1] : vector<1x128xf32> to vector<1xf32>
      %broadcast_in_dim3A_252 = vector.shape_cast %reduce_max3A_251 : vector<1xf32> to vector<1x1xf32>
      %add3A_253 = arith.constant 3 : i32
      %add3A_254 = arith.addi %mul3A_135, %add3A_253 : i32
      %eq3A_255 = vector.broadcast %add3A_254 : i32 to vector<1x128xi32>
      %eq3A_256 = arith.cmpi eq, %iota3A, %eq3A_255 : vector<1x128xi32>
      %jit3A_257 = arith.constant 0.000000e+00 : f32
      %broadcast_in_dim3A_258 = vector.broadcast %jit3A_257 : f32 to vector<1x128xf32>
      %select_n3A_259 = arith.select %eq3A_256, %scan3A_133, %broadcast_in_dim3A_258 : vector<1x128xi1>, vector<1x128xf32>
      %reduce_max3A_260 = arith.constant dense<0xFF800000> : vector<1xf32>
      %reduce_max3A_261 = vector.multi_reduction <maximumf>, %select_n3A_259, %reduce_max3A_260 [1] : vector<1x128xf32> to vector<1xf32>
      %broadcast_in_dim3A_262 = vector.shape_cast %reduce_max3A_261 : vector<1xf32> to vector<1x1xf32>
      %add3A_263 = arith.constant 4 : i32
      %add3A_264 = arith.addi %mul3A_135, %add3A_263 : i32
      %eq3A_265 = vector.broadcast %add3A_264 : i32 to vector<1x128xi32>
      %eq3A_266 = arith.cmpi eq, %iota3A, %eq3A_265 : vector<1x128xi32>
      %jit3A_267 = arith.constant 0.000000e+00 : f32
      %broadcast_in_dim3A_268 = vector.broadcast %jit3A_267 : f32 to vector<1x128xf32>
      %select_n3A_269 = arith.select %eq3A_266, %scan3A_133, %broadcast_in_dim3A_268 : vector<1x128xi1>, vector<1x128xf32>
      %reduce_max3A_270 = arith.constant dense<0xFF800000> : vector<1xf32>
      %reduce_max3A_271 = vector.multi_reduction <maximumf>, %select_n3A_269, %reduce_max3A_270 [1] : vector<1x128xf32> to vector<1xf32>
      %broadcast_in_dim3A_272 = vector.shape_cast %reduce_max3A_271 : vector<1xf32> to vector<1x1xf32>
      %add3A_273 = arith.constant 5 : i32
      %add3A_274 = arith.addi %mul3A_135, %add3A_273 : i32
      %eq3A_275 = vector.broadcast %add3A_274 : i32 to vector<1x128xi32>
      %eq3A_276 = arith.cmpi eq, %iota3A, %eq3A_275 : vector<1x128xi32>
      %jit3A_277 = arith.constant 0.000000e+00 : f32
      %broadcast_in_dim3A_278 = vector.broadcast %jit3A_277 : f32 to vector<1x128xf32>
      %select_n3A_279 = arith.select %eq3A_276, %scan3A_133, %broadcast_in_dim3A_278 : vector<1x128xi1>, vector<1x128xf32>
      %reduce_max3A_280 = arith.constant dense<0xFF800000> : vector<1xf32>
      %reduce_max3A_281 = vector.multi_reduction <maximumf>, %select_n3A_279, %reduce_max3A_280 [1] : vector<1x128xf32> to vector<1xf32>
      %broadcast_in_dim3A_282 = vector.shape_cast %reduce_max3A_281 : vector<1xf32> to vector<1x1xf32>
      %add3A_283 = arith.constant 6 : i32
      %add3A_284 = arith.addi %mul3A_135, %add3A_283 : i32
      %eq3A_285 = vector.broadcast %add3A_284 : i32 to vector<1x128xi32>
      %eq3A_286 = arith.cmpi eq, %iota3A, %eq3A_285 : vector<1x128xi32>
      %jit3A_287 = arith.constant 0.000000e+00 : f32
      %broadcast_in_dim3A_288 = vector.broadcast %jit3A_287 : f32 to vector<1x128xf32>
      %select_n3A_289 = arith.select %eq3A_286, %scan3A_133, %broadcast_in_dim3A_288 : vector<1x128xi1>, vector<1x128xf32>
      %reduce_max3A_290 = arith.constant dense<0xFF800000> : vector<1xf32>
      %reduce_max3A_291 = vector.multi_reduction <maximumf>, %select_n3A_289, %reduce_max3A_290 [1] : vector<1x128xf32> to vector<1xf32>
      %broadcast_in_dim3A_292 = vector.shape_cast %reduce_max3A_291 : vector<1xf32> to vector<1x1xf32>
      %add3A_293 = arith.constant 7 : i32
      %add3A_294 = arith.addi %mul3A_135, %add3A_293 : i32
      %eq3A_295 = vector.broadcast %add3A_294 : i32 to vector<1x128xi32>
      %eq3A_296 = arith.cmpi eq, %iota3A, %eq3A_295 : vector<1x128xi32>
      %jit3A_297 = arith.constant 0.000000e+00 : f32
      %broadcast_in_dim3A_298 = vector.broadcast %jit3A_297 : f32 to vector<1x128xf32>
      %select_n3A_299 = arith.select %eq3A_296, %scan3A_133, %broadcast_in_dim3A_298 : vector<1x128xi1>, vector<1x128xf32>
      %reduce_max3A_300 = arith.constant dense<0xFF800000> : vector<1xf32>
      %reduce_max3A_301 = vector.multi_reduction <maximumf>, %select_n3A_299, %reduce_max3A_300 [1] : vector<1x128xf32> to vector<1xf32>
      %broadcast_in_dim3A_302 = vector.shape_cast %reduce_max3A_301 : vector<1xf32> to vector<1x1xf32>
      %slice3A = vector.extract_strided_slice %select_n3A_223 {offsets = [0, 1], sizes = [1, 1], strides = [1, 1]} : vector<8x8xf32> to vector<1x1xf32>
      %mul3A_303 = arith.mulf %slice3A, %broadcast_in_dim3A_232 : vector<1x1xf32>
      %sub3A_304 = arith.constant 1.000000e+00 : f32
      %sub3A_305 = vector.broadcast %sub3A_304 : f32 to vector<1x1xf32>
      %sub3A_306 = arith.subf %sub3A_305, %mul3A_303 : vector<1x1xf32>
      %mul3A_307 = arith.mulf %broadcast_in_dim3A_242, %sub3A_306 : vector<1x1xf32>
      %slice3A_308 = vector.extract_strided_slice %select_n3A_223 {offsets = [0, 2], sizes = [1, 1], strides = [1, 1]} : vector<8x8xf32> to vector<1x1xf32>
      %mul3A_309 = arith.mulf %slice3A_308, %broadcast_in_dim3A_232 : vector<1x1xf32>
      %sub3A_310 = arith.constant 1.000000e+00 : f32
      %sub3A_311 = vector.broadcast %sub3A_310 : f32 to vector<1x1xf32>
      %sub3A_312 = arith.subf %sub3A_311, %mul3A_309 : vector<1x1xf32>
      %mul3A_313 = arith.mulf %broadcast_in_dim3A_252, %sub3A_312 : vector<1x1xf32>
      %slice3A_314 = vector.extract_strided_slice %select_n3A_223 {offsets = [1, 2], sizes = [1, 1], strides = [1, 1]} : vector<8x8xf32> to vector<1x1xf32>
      %mul3A_315 = arith.mulf %slice3A_314, %mul3A_307 : vector<1x1xf32>
      %sub3A_316 = arith.constant 1.000000e+00 : f32
      %sub3A_317 = vector.broadcast %sub3A_316 : f32 to vector<1x1xf32>
      %sub3A_318 = arith.subf %sub3A_317, %mul3A_315 : vector<1x1xf32>
      %mul3A_319 = arith.mulf %mul3A_313, %sub3A_318 : vector<1x1xf32>
      %slice3A_320 = vector.extract_strided_slice %select_n3A_223 {offsets = [0, 3], sizes = [1, 1], strides = [1, 1]} : vector<8x8xf32> to vector<1x1xf32>
      %mul3A_321 = arith.mulf %slice3A_320, %broadcast_in_dim3A_232 : vector<1x1xf32>
      %sub3A_322 = arith.constant 1.000000e+00 : f32
      %sub3A_323 = vector.broadcast %sub3A_322 : f32 to vector<1x1xf32>
      %sub3A_324 = arith.subf %sub3A_323, %mul3A_321 : vector<1x1xf32>
      %mul3A_325 = arith.mulf %broadcast_in_dim3A_262, %sub3A_324 : vector<1x1xf32>
      %slice3A_326 = vector.extract_strided_slice %select_n3A_223 {offsets = [1, 3], sizes = [1, 1], strides = [1, 1]} : vector<8x8xf32> to vector<1x1xf32>
      %mul3A_327 = arith.mulf %slice3A_326, %mul3A_307 : vector<1x1xf32>
      %sub3A_328 = arith.constant 1.000000e+00 : f32
      %sub3A_329 = vector.broadcast %sub3A_328 : f32 to vector<1x1xf32>
      %sub3A_330 = arith.subf %sub3A_329, %mul3A_327 : vector<1x1xf32>
      %mul3A_331 = arith.mulf %mul3A_325, %sub3A_330 : vector<1x1xf32>
      %slice3A_332 = vector.extract_strided_slice %select_n3A_223 {offsets = [2, 3], sizes = [1, 1], strides = [1, 1]} : vector<8x8xf32> to vector<1x1xf32>
      %mul3A_333 = arith.mulf %slice3A_332, %mul3A_319 : vector<1x1xf32>
      %sub3A_334 = arith.constant 1.000000e+00 : f32
      %sub3A_335 = vector.broadcast %sub3A_334 : f32 to vector<1x1xf32>
      %sub3A_336 = arith.subf %sub3A_335, %mul3A_333 : vector<1x1xf32>
      %mul3A_337 = arith.mulf %mul3A_331, %sub3A_336 : vector<1x1xf32>
      %slice3A_338 = vector.extract_strided_slice %select_n3A_223 {offsets = [0, 4], sizes = [1, 1], strides = [1, 1]} : vector<8x8xf32> to vector<1x1xf32>
      %mul3A_339 = arith.mulf %slice3A_338, %broadcast_in_dim3A_232 : vector<1x1xf32>
      %sub3A_340 = arith.constant 1.000000e+00 : f32
      %sub3A_341 = vector.broadcast %sub3A_340 : f32 to vector<1x1xf32>
      %sub3A_342 = arith.subf %sub3A_341, %mul3A_339 : vector<1x1xf32>
      %mul3A_343 = arith.mulf %broadcast_in_dim3A_272, %sub3A_342 : vector<1x1xf32>
      %slice3A_344 = vector.extract_strided_slice %select_n3A_223 {offsets = [1, 4], sizes = [1, 1], strides = [1, 1]} : vector<8x8xf32> to vector<1x1xf32>
      %mul3A_345 = arith.mulf %slice3A_344, %mul3A_307 : vector<1x1xf32>
      %sub3A_346 = arith.constant 1.000000e+00 : f32
      %sub3A_347 = vector.broadcast %sub3A_346 : f32 to vector<1x1xf32>
      %sub3A_348 = arith.subf %sub3A_347, %mul3A_345 : vector<1x1xf32>
      %mul3A_349 = arith.mulf %mul3A_343, %sub3A_348 : vector<1x1xf32>
      %slice3A_350 = vector.extract_strided_slice %select_n3A_223 {offsets = [2, 4], sizes = [1, 1], strides = [1, 1]} : vector<8x8xf32> to vector<1x1xf32>
      %mul3A_351 = arith.mulf %slice3A_350, %mul3A_319 : vector<1x1xf32>
      %sub3A_352 = arith.constant 1.000000e+00 : f32
      %sub3A_353 = vector.broadcast %sub3A_352 : f32 to vector<1x1xf32>
      %sub3A_354 = arith.subf %sub3A_353, %mul3A_351 : vector<1x1xf32>
      %mul3A_355 = arith.mulf %mul3A_349, %sub3A_354 : vector<1x1xf32>
      %slice3A_356 = vector.extract_strided_slice %select_n3A_223 {offsets = [3, 4], sizes = [1, 1], strides = [1, 1]} : vector<8x8xf32> to vector<1x1xf32>
      %mul3A_357 = arith.mulf %slice3A_356, %mul3A_337 : vector<1x1xf32>
      %sub3A_358 = arith.constant 1.000000e+00 : f32
      %sub3A_359 = vector.broadcast %sub3A_358 : f32 to vector<1x1xf32>
      %sub3A_360 = arith.subf %sub3A_359, %mul3A_357 : vector<1x1xf32>
      %mul3A_361 = arith.mulf %mul3A_355, %sub3A_360 : vector<1x1xf32>
      %slice3A_362 = vector.extract_strided_slice %select_n3A_223 {offsets = [0, 5], sizes = [1, 1], strides = [1, 1]} : vector<8x8xf32> to vector<1x1xf32>
      %mul3A_363 = arith.mulf %slice3A_362, %broadcast_in_dim3A_232 : vector<1x1xf32>
      %sub3A_364 = arith.constant 1.000000e+00 : f32
      %sub3A_365 = vector.broadcast %sub3A_364 : f32 to vector<1x1xf32>
      %sub3A_366 = arith.subf %sub3A_365, %mul3A_363 : vector<1x1xf32>
      %mul3A_367 = arith.mulf %broadcast_in_dim3A_282, %sub3A_366 : vector<1x1xf32>
      %slice3A_368 = vector.extract_strided_slice %select_n3A_223 {offsets = [1, 5], sizes = [1, 1], strides = [1, 1]} : vector<8x8xf32> to vector<1x1xf32>
      %mul3A_369 = arith.mulf %slice3A_368, %mul3A_307 : vector<1x1xf32>
      %sub3A_370 = arith.constant 1.000000e+00 : f32
      %sub3A_371 = vector.broadcast %sub3A_370 : f32 to vector<1x1xf32>
      %sub3A_372 = arith.subf %sub3A_371, %mul3A_369 : vector<1x1xf32>
      %mul3A_373 = arith.mulf %mul3A_367, %sub3A_372 : vector<1x1xf32>
      %slice3A_374 = vector.extract_strided_slice %select_n3A_223 {offsets = [2, 5], sizes = [1, 1], strides = [1, 1]} : vector<8x8xf32> to vector<1x1xf32>
      %mul3A_375 = arith.mulf %slice3A_374, %mul3A_319 : vector<1x1xf32>
      %sub3A_376 = arith.constant 1.000000e+00 : f32
      %sub3A_377 = vector.broadcast %sub3A_376 : f32 to vector<1x1xf32>
      %sub3A_378 = arith.subf %sub3A_377, %mul3A_375 : vector<1x1xf32>
      %mul3A_379 = arith.mulf %mul3A_373, %sub3A_378 : vector<1x1xf32>
      %slice3A_380 = vector.extract_strided_slice %select_n3A_223 {offsets = [3, 5], sizes = [1, 1], strides = [1, 1]} : vector<8x8xf32> to vector<1x1xf32>
      %mul3A_381 = arith.mulf %slice3A_380, %mul3A_337 : vector<1x1xf32>
      %sub3A_382 = arith.constant 1.000000e+00 : f32
      %sub3A_383 = vector.broadcast %sub3A_382 : f32 to vector<1x1xf32>
      %sub3A_384 = arith.subf %sub3A_383, %mul3A_381 : vector<1x1xf32>
      %mul3A_385 = arith.mulf %mul3A_379, %sub3A_384 : vector<1x1xf32>
      %slice3A_386 = vector.extract_strided_slice %select_n3A_223 {offsets = [4, 5], sizes = [1, 1], strides = [1, 1]} : vector<8x8xf32> to vector<1x1xf32>
      %mul3A_387 = arith.mulf %slice3A_386, %mul3A_361 : vector<1x1xf32>
      %sub3A_388 = arith.constant 1.000000e+00 : f32
      %sub3A_389 = vector.broadcast %sub3A_388 : f32 to vector<1x1xf32>
      %sub3A_390 = arith.subf %sub3A_389, %mul3A_387 : vector<1x1xf32>
      %mul3A_391 = arith.mulf %mul3A_385, %sub3A_390 : vector<1x1xf32>
      %slice3A_392 = vector.extract_strided_slice %select_n3A_223 {offsets = [0, 6], sizes = [1, 1], strides = [1, 1]} : vector<8x8xf32> to vector<1x1xf32>
      %mul3A_393 = arith.mulf %slice3A_392, %broadcast_in_dim3A_232 : vector<1x1xf32>
      %sub3A_394 = arith.constant 1.000000e+00 : f32
      %sub3A_395 = vector.broadcast %sub3A_394 : f32 to vector<1x1xf32>
      %sub3A_396 = arith.subf %sub3A_395, %mul3A_393 : vector<1x1xf32>
      %mul3A_397 = arith.mulf %broadcast_in_dim3A_292, %sub3A_396 : vector<1x1xf32>
      %slice3A_398 = vector.extract_strided_slice %select_n3A_223 {offsets = [1, 6], sizes = [1, 1], strides = [1, 1]} : vector<8x8xf32> to vector<1x1xf32>
      %mul3A_399 = arith.mulf %slice3A_398, %mul3A_307 : vector<1x1xf32>
      %sub3A_400 = arith.constant 1.000000e+00 : f32
      %sub3A_401 = vector.broadcast %sub3A_400 : f32 to vector<1x1xf32>
      %sub3A_402 = arith.subf %sub3A_401, %mul3A_399 : vector<1x1xf32>
      %mul3A_403 = arith.mulf %mul3A_397, %sub3A_402 : vector<1x1xf32>
      %slice3A_404 = vector.extract_strided_slice %select_n3A_223 {offsets = [2, 6], sizes = [1, 1], strides = [1, 1]} : vector<8x8xf32> to vector<1x1xf32>
      %mul3A_405 = arith.mulf %slice3A_404, %mul3A_319 : vector<1x1xf32>
      %sub3A_406 = arith.constant 1.000000e+00 : f32
      %sub3A_407 = vector.broadcast %sub3A_406 : f32 to vector<1x1xf32>
      %sub3A_408 = arith.subf %sub3A_407, %mul3A_405 : vector<1x1xf32>
      %mul3A_409 = arith.mulf %mul3A_403, %sub3A_408 : vector<1x1xf32>
      %slice3A_410 = vector.extract_strided_slice %select_n3A_223 {offsets = [3, 6], sizes = [1, 1], strides = [1, 1]} : vector<8x8xf32> to vector<1x1xf32>
      %mul3A_411 = arith.mulf %slice3A_410, %mul3A_337 : vector<1x1xf32>
      %sub3A_412 = arith.constant 1.000000e+00 : f32
      %sub3A_413 = vector.broadcast %sub3A_412 : f32 to vector<1x1xf32>
      %sub3A_414 = arith.subf %sub3A_413, %mul3A_411 : vector<1x1xf32>
      %mul3A_415 = arith.mulf %mul3A_409, %sub3A_414 : vector<1x1xf32>
      %slice3A_416 = vector.extract_strided_slice %select_n3A_223 {offsets = [4, 6], sizes = [1, 1], strides = [1, 1]} : vector<8x8xf32> to vector<1x1xf32>
      %mul3A_417 = arith.mulf %slice3A_416, %mul3A_361 : vector<1x1xf32>
      %sub3A_418 = arith.constant 1.000000e+00 : f32
      %sub3A_419 = vector.broadcast %sub3A_418 : f32 to vector<1x1xf32>
      %sub3A_420 = arith.subf %sub3A_419, %mul3A_417 : vector<1x1xf32>
      %mul3A_421 = arith.mulf %mul3A_415, %sub3A_420 : vector<1x1xf32>
      %slice3A_422 = vector.extract_strided_slice %select_n3A_223 {offsets = [5, 6], sizes = [1, 1], strides = [1, 1]} : vector<8x8xf32> to vector<1x1xf32>
      %mul3A_423 = arith.mulf %slice3A_422, %mul3A_391 : vector<1x1xf32>
      %sub3A_424 = arith.constant 1.000000e+00 : f32
      %sub3A_425 = vector.broadcast %sub3A_424 : f32 to vector<1x1xf32>
      %sub3A_426 = arith.subf %sub3A_425, %mul3A_423 : vector<1x1xf32>
      %mul3A_427 = arith.mulf %mul3A_421, %sub3A_426 : vector<1x1xf32>
      %slice3A_428 = vector.extract_strided_slice %select_n3A_223 {offsets = [0, 7], sizes = [1, 1], strides = [1, 1]} : vector<8x8xf32> to vector<1x1xf32>
      %mul3A_429 = arith.mulf %slice3A_428, %broadcast_in_dim3A_232 : vector<1x1xf32>
      %sub3A_430 = arith.constant 1.000000e+00 : f32
      %sub3A_431 = vector.broadcast %sub3A_430 : f32 to vector<1x1xf32>
      %sub3A_432 = arith.subf %sub3A_431, %mul3A_429 : vector<1x1xf32>
      %mul3A_433 = arith.mulf %broadcast_in_dim3A_302, %sub3A_432 : vector<1x1xf32>
      %slice3A_434 = vector.extract_strided_slice %select_n3A_223 {offsets = [1, 7], sizes = [1, 1], strides = [1, 1]} : vector<8x8xf32> to vector<1x1xf32>
      %mul3A_435 = arith.mulf %slice3A_434, %mul3A_307 : vector<1x1xf32>
      %sub3A_436 = arith.constant 1.000000e+00 : f32
      %sub3A_437 = vector.broadcast %sub3A_436 : f32 to vector<1x1xf32>
      %sub3A_438 = arith.subf %sub3A_437, %mul3A_435 : vector<1x1xf32>
      %mul3A_439 = arith.mulf %mul3A_433, %sub3A_438 : vector<1x1xf32>
      %slice3A_440 = vector.extract_strided_slice %select_n3A_223 {offsets = [2, 7], sizes = [1, 1], strides = [1, 1]} : vector<8x8xf32> to vector<1x1xf32>
      %mul3A_441 = arith.mulf %slice3A_440, %mul3A_319 : vector<1x1xf32>
      %sub3A_442 = arith.constant 1.000000e+00 : f32
      %sub3A_443 = vector.broadcast %sub3A_442 : f32 to vector<1x1xf32>
      %sub3A_444 = arith.subf %sub3A_443, %mul3A_441 : vector<1x1xf32>
      %mul3A_445 = arith.mulf %mul3A_439, %sub3A_444 : vector<1x1xf32>
      %slice3A_446 = vector.extract_strided_slice %select_n3A_223 {offsets = [3, 7], sizes = [1, 1], strides = [1, 1]} : vector<8x8xf32> to vector<1x1xf32>
      %mul3A_447 = arith.mulf %slice3A_446, %mul3A_337 : vector<1x1xf32>
      %sub3A_448 = arith.constant 1.000000e+00 : f32
      %sub3A_449 = vector.broadcast %sub3A_448 : f32 to vector<1x1xf32>
      %sub3A_450 = arith.subf %sub3A_449, %mul3A_447 : vector<1x1xf32>
      %mul3A_451 = arith.mulf %mul3A_445, %sub3A_450 : vector<1x1xf32>
      %slice3A_452 = vector.extract_strided_slice %select_n3A_223 {offsets = [4, 7], sizes = [1, 1], strides = [1, 1]} : vector<8x8xf32> to vector<1x1xf32>
      %mul3A_453 = arith.mulf %slice3A_452, %mul3A_361 : vector<1x1xf32>
      %sub3A_454 = arith.constant 1.000000e+00 : f32
      %sub3A_455 = vector.broadcast %sub3A_454 : f32 to vector<1x1xf32>
      %sub3A_456 = arith.subf %sub3A_455, %mul3A_453 : vector<1x1xf32>
      %mul3A_457 = arith.mulf %mul3A_451, %sub3A_456 : vector<1x1xf32>
      %slice3A_458 = vector.extract_strided_slice %select_n3A_223 {offsets = [5, 7], sizes = [1, 1], strides = [1, 1]} : vector<8x8xf32> to vector<1x1xf32>
      %mul3A_459 = arith.mulf %slice3A_458, %mul3A_391 : vector<1x1xf32>
      %sub3A_460 = arith.constant 1.000000e+00 : f32
      %sub3A_461 = vector.broadcast %sub3A_460 : f32 to vector<1x1xf32>
      %sub3A_462 = arith.subf %sub3A_461, %mul3A_459 : vector<1x1xf32>
      %mul3A_463 = arith.mulf %mul3A_457, %sub3A_462 : vector<1x1xf32>
      %slice3A_464 = vector.extract_strided_slice %select_n3A_223 {offsets = [6, 7], sizes = [1, 1], strides = [1, 1]} : vector<8x8xf32> to vector<1x1xf32>
      %mul3A_465 = arith.mulf %slice3A_464, %mul3A_427 : vector<1x1xf32>
      %sub3A_466 = arith.constant 1.000000e+00 : f32
      %sub3A_467 = vector.broadcast %sub3A_466 : f32 to vector<1x1xf32>
      %sub3A_468 = arith.subf %sub3A_467, %mul3A_465 : vector<1x1xf32>
      %mul3A_469 = arith.mulf %mul3A_463, %sub3A_468 : vector<1x1xf32>
      %slice3A_470 = vector.extract_strided_slice %div3A_177 {offsets = [0, 0], sizes = [1, 128], strides = [1, 1]} : vector<8x128xf32> to vector<1x128xf32>
      %gt3A_471 = arith.constant 5.000000e-01 : f32
      %gt3A_472 = vector.broadcast %gt3A_471 : f32 to vector<1x128xf32>
      %gt3A_473 = arith.cmpf ogt, %slice3A_470, %gt3A_472 : vector<1x128xf32>
      %add3A_474 = arith.constant 0 : i32
      %add3A_475 = arith.addi %mul3A_135, %add3A_474 : i32
      %gt3A_476 = vector.broadcast %add3A_475 : i32 to vector<1x128xi32>
      %gt3A_477 = arith.cmpi sgt, %iota3A, %gt3A_476 : vector<1x128xi32>
      %and3A_478 = arith.andi %gt3A_473, %gt3A_477 : vector<1x128xi1>
      %gt3A_479 = arith.constant 0.000000e+00 : f32
      %gt3A_480 = vector.broadcast %gt3A_479 : f32 to vector<1x1xf32>
      %gt3A_481 = arith.cmpf ogt, %broadcast_in_dim3A_232, %gt3A_480 : vector<1x1xf32>
      %and3A_482 = vector.broadcast %gt3A_481 : vector<1x1xi1> to vector<1x128xi1>
      %and3A_483 = arith.andi %and3A_478, %and3A_482 : vector<1x128xi1>
      %jit3A_484 = arith.constant 0.000000e+00 : f32
      %broadcast_in_dim3A_485 = vector.broadcast %jit3A_484 : f32 to vector<1x128xf32>
      %select_n3A_486 = arith.select %and3A_483, %broadcast_in_dim3A_485, %scan3A_133 : vector<1x128xi1>, vector<1x128xf32>
      %slice3A_487 = vector.extract_strided_slice %div3A_177 {offsets = [1, 0], sizes = [1, 128], strides = [1, 1]} : vector<8x128xf32> to vector<1x128xf32>
      %gt3A_488 = arith.constant 5.000000e-01 : f32
      %gt3A_489 = vector.broadcast %gt3A_488 : f32 to vector<1x128xf32>
      %gt3A_490 = arith.cmpf ogt, %slice3A_487, %gt3A_489 : vector<1x128xf32>
      %add3A_491 = arith.constant 1 : i32
      %add3A_492 = arith.addi %mul3A_135, %add3A_491 : i32
      %gt3A_493 = vector.broadcast %add3A_492 : i32 to vector<1x128xi32>
      %gt3A_494 = arith.cmpi sgt, %iota3A, %gt3A_493 : vector<1x128xi32>
      %and3A_495 = arith.andi %gt3A_490, %gt3A_494 : vector<1x128xi1>
      %gt3A_496 = arith.constant 0.000000e+00 : f32
      %gt3A_497 = vector.broadcast %gt3A_496 : f32 to vector<1x1xf32>
      %gt3A_498 = arith.cmpf ogt, %mul3A_307, %gt3A_497 : vector<1x1xf32>
      %and3A_499 = vector.broadcast %gt3A_498 : vector<1x1xi1> to vector<1x128xi1>
      %and3A_500 = arith.andi %and3A_495, %and3A_499 : vector<1x128xi1>
      %jit3A_501 = arith.constant 0.000000e+00 : f32
      %broadcast_in_dim3A_502 = vector.broadcast %jit3A_501 : f32 to vector<1x128xf32>
      %select_n3A_503 = arith.select %and3A_500, %broadcast_in_dim3A_502, %select_n3A_486 : vector<1x128xi1>, vector<1x128xf32>
      %slice3A_504 = vector.extract_strided_slice %div3A_177 {offsets = [2, 0], sizes = [1, 128], strides = [1, 1]} : vector<8x128xf32> to vector<1x128xf32>
      %gt3A_505 = arith.constant 5.000000e-01 : f32
      %gt3A_506 = vector.broadcast %gt3A_505 : f32 to vector<1x128xf32>
      %gt3A_507 = arith.cmpf ogt, %slice3A_504, %gt3A_506 : vector<1x128xf32>
      %add3A_508 = arith.constant 2 : i32
      %add3A_509 = arith.addi %mul3A_135, %add3A_508 : i32
      %gt3A_510 = vector.broadcast %add3A_509 : i32 to vector<1x128xi32>
      %gt3A_511 = arith.cmpi sgt, %iota3A, %gt3A_510 : vector<1x128xi32>
      %and3A_512 = arith.andi %gt3A_507, %gt3A_511 : vector<1x128xi1>
      %gt3A_513 = arith.constant 0.000000e+00 : f32
      %gt3A_514 = vector.broadcast %gt3A_513 : f32 to vector<1x1xf32>
      %gt3A_515 = arith.cmpf ogt, %mul3A_319, %gt3A_514 : vector<1x1xf32>
      %and3A_516 = vector.broadcast %gt3A_515 : vector<1x1xi1> to vector<1x128xi1>
      %and3A_517 = arith.andi %and3A_512, %and3A_516 : vector<1x128xi1>
      %jit3A_518 = arith.constant 0.000000e+00 : f32
      %broadcast_in_dim3A_519 = vector.broadcast %jit3A_518 : f32 to vector<1x128xf32>
      %select_n3A_520 = arith.select %and3A_517, %broadcast_in_dim3A_519, %select_n3A_503 : vector<1x128xi1>, vector<1x128xf32>
      %slice3A_521 = vector.extract_strided_slice %div3A_177 {offsets = [3, 0], sizes = [1, 128], strides = [1, 1]} : vector<8x128xf32> to vector<1x128xf32>
      %gt3A_522 = arith.constant 5.000000e-01 : f32
      %gt3A_523 = vector.broadcast %gt3A_522 : f32 to vector<1x128xf32>
      %gt3A_524 = arith.cmpf ogt, %slice3A_521, %gt3A_523 : vector<1x128xf32>
      %add3A_525 = arith.constant 3 : i32
      %add3A_526 = arith.addi %mul3A_135, %add3A_525 : i32
      %gt3A_527 = vector.broadcast %add3A_526 : i32 to vector<1x128xi32>
      %gt3A_528 = arith.cmpi sgt, %iota3A, %gt3A_527 : vector<1x128xi32>
      %and3A_529 = arith.andi %gt3A_524, %gt3A_528 : vector<1x128xi1>
      %gt3A_530 = arith.constant 0.000000e+00 : f32
      %gt3A_531 = vector.broadcast %gt3A_530 : f32 to vector<1x1xf32>
      %gt3A_532 = arith.cmpf ogt, %mul3A_337, %gt3A_531 : vector<1x1xf32>
      %and3A_533 = vector.broadcast %gt3A_532 : vector<1x1xi1> to vector<1x128xi1>
      %and3A_534 = arith.andi %and3A_529, %and3A_533 : vector<1x128xi1>
      %jit3A_535 = arith.constant 0.000000e+00 : f32
      %broadcast_in_dim3A_536 = vector.broadcast %jit3A_535 : f32 to vector<1x128xf32>
      %select_n3A_537 = arith.select %and3A_534, %broadcast_in_dim3A_536, %select_n3A_520 : vector<1x128xi1>, vector<1x128xf32>
      %slice3A_538 = vector.extract_strided_slice %div3A_177 {offsets = [4, 0], sizes = [1, 128], strides = [1, 1]} : vector<8x128xf32> to vector<1x128xf32>
      %gt3A_539 = arith.constant 5.000000e-01 : f32
      %gt3A_540 = vector.broadcast %gt3A_539 : f32 to vector<1x128xf32>
      %gt3A_541 = arith.cmpf ogt, %slice3A_538, %gt3A_540 : vector<1x128xf32>
      %add3A_542 = arith.constant 4 : i32
      %add3A_543 = arith.addi %mul3A_135, %add3A_542 : i32
      %gt3A_544 = vector.broadcast %add3A_543 : i32 to vector<1x128xi32>
      %gt3A_545 = arith.cmpi sgt, %iota3A, %gt3A_544 : vector<1x128xi32>
      %and3A_546 = arith.andi %gt3A_541, %gt3A_545 : vector<1x128xi1>
      %gt3A_547 = arith.constant 0.000000e+00 : f32
      %gt3A_548 = vector.broadcast %gt3A_547 : f32 to vector<1x1xf32>
      %gt3A_549 = arith.cmpf ogt, %mul3A_361, %gt3A_548 : vector<1x1xf32>
      %and3A_550 = vector.broadcast %gt3A_549 : vector<1x1xi1> to vector<1x128xi1>
      %and3A_551 = arith.andi %and3A_546, %and3A_550 : vector<1x128xi1>
      %jit3A_552 = arith.constant 0.000000e+00 : f32
      %broadcast_in_dim3A_553 = vector.broadcast %jit3A_552 : f32 to vector<1x128xf32>
      %select_n3A_554 = arith.select %and3A_551, %broadcast_in_dim3A_553, %select_n3A_537 : vector<1x128xi1>, vector<1x128xf32>
      %slice3A_555 = vector.extract_strided_slice %div3A_177 {offsets = [5, 0], sizes = [1, 128], strides = [1, 1]} : vector<8x128xf32> to vector<1x128xf32>
      %gt3A_556 = arith.constant 5.000000e-01 : f32
      %gt3A_557 = vector.broadcast %gt3A_556 : f32 to vector<1x128xf32>
      %gt3A_558 = arith.cmpf ogt, %slice3A_555, %gt3A_557 : vector<1x128xf32>
      %add3A_559 = arith.constant 5 : i32
      %add3A_560 = arith.addi %mul3A_135, %add3A_559 : i32
      %gt3A_561 = vector.broadcast %add3A_560 : i32 to vector<1x128xi32>
      %gt3A_562 = arith.cmpi sgt, %iota3A, %gt3A_561 : vector<1x128xi32>
      %and3A_563 = arith.andi %gt3A_558, %gt3A_562 : vector<1x128xi1>
      %gt3A_564 = arith.constant 0.000000e+00 : f32
      %gt3A_565 = vector.broadcast %gt3A_564 : f32 to vector<1x1xf32>
      %gt3A_566 = arith.cmpf ogt, %mul3A_391, %gt3A_565 : vector<1x1xf32>
      %and3A_567 = vector.broadcast %gt3A_566 : vector<1x1xi1> to vector<1x128xi1>
      %and3A_568 = arith.andi %and3A_563, %and3A_567 : vector<1x128xi1>
      %jit3A_569 = arith.constant 0.000000e+00 : f32
      %broadcast_in_dim3A_570 = vector.broadcast %jit3A_569 : f32 to vector<1x128xf32>
      %select_n3A_571 = arith.select %and3A_568, %broadcast_in_dim3A_570, %select_n3A_554 : vector<1x128xi1>, vector<1x128xf32>
      %slice3A_572 = vector.extract_strided_slice %div3A_177 {offsets = [6, 0], sizes = [1, 128], strides = [1, 1]} : vector<8x128xf32> to vector<1x128xf32>
      %gt3A_573 = arith.constant 5.000000e-01 : f32
      %gt3A_574 = vector.broadcast %gt3A_573 : f32 to vector<1x128xf32>
      %gt3A_575 = arith.cmpf ogt, %slice3A_572, %gt3A_574 : vector<1x128xf32>
      %add3A_576 = arith.constant 6 : i32
      %add3A_577 = arith.addi %mul3A_135, %add3A_576 : i32
      %gt3A_578 = vector.broadcast %add3A_577 : i32 to vector<1x128xi32>
      %gt3A_579 = arith.cmpi sgt, %iota3A, %gt3A_578 : vector<1x128xi32>
      %and3A_580 = arith.andi %gt3A_575, %gt3A_579 : vector<1x128xi1>
      %gt3A_581 = arith.constant 0.000000e+00 : f32
      %gt3A_582 = vector.broadcast %gt3A_581 : f32 to vector<1x1xf32>
      %gt3A_583 = arith.cmpf ogt, %mul3A_427, %gt3A_582 : vector<1x1xf32>
      %and3A_584 = vector.broadcast %gt3A_583 : vector<1x1xi1> to vector<1x128xi1>
      %and3A_585 = arith.andi %and3A_580, %and3A_584 : vector<1x128xi1>
      %jit3A_586 = arith.constant 0.000000e+00 : f32
      %broadcast_in_dim3A_587 = vector.broadcast %jit3A_586 : f32 to vector<1x128xf32>
      %select_n3A_588 = arith.select %and3A_585, %broadcast_in_dim3A_587, %select_n3A_571 : vector<1x128xi1>, vector<1x128xf32>
      %slice3A_589 = vector.extract_strided_slice %div3A_177 {offsets = [7, 0], sizes = [1, 128], strides = [1, 1]} : vector<8x128xf32> to vector<1x128xf32>
      %gt3A_590 = arith.constant 5.000000e-01 : f32
      %gt3A_591 = vector.broadcast %gt3A_590 : f32 to vector<1x128xf32>
      %gt3A_592 = arith.cmpf ogt, %slice3A_589, %gt3A_591 : vector<1x128xf32>
      %add3A_593 = arith.constant 7 : i32
      %add3A_594 = arith.addi %mul3A_135, %add3A_593 : i32
      %gt3A_595 = vector.broadcast %add3A_594 : i32 to vector<1x128xi32>
      %gt3A_596 = arith.cmpi sgt, %iota3A, %gt3A_595 : vector<1x128xi32>
      %and3A_597 = arith.andi %gt3A_592, %gt3A_596 : vector<1x128xi1>
      %gt3A_598 = arith.constant 0.000000e+00 : f32
      %gt3A_599 = vector.broadcast %gt3A_598 : f32 to vector<1x1xf32>
      %gt3A_600 = arith.cmpf ogt, %mul3A_469, %gt3A_599 : vector<1x1xf32>
      %and3A_601 = vector.broadcast %gt3A_600 : vector<1x1xi1> to vector<1x128xi1>
      %and3A_602 = arith.andi %and3A_597, %and3A_601 : vector<1x128xi1>
      %jit3A_603 = arith.constant 0.000000e+00 : f32
      %broadcast_in_dim3A_604 = vector.broadcast %jit3A_603 : f32 to vector<1x128xf32>
      %select_n3A_605 = arith.select %and3A_602, %broadcast_in_dim3A_604, %select_n3A_588 : vector<1x128xi1>, vector<1x128xf32>
      scf.yield %select_n3A_605 : vector<1x128xf32>
    }
    %scan3A_95 = arith.constant 16 : i32
    %swap3A_96 = arith.constant 0 : index
    %swap3A_97 = arith.index_cast %mul3A_0 : i32 to index
    %swap3A_98 = vector.load %arg6[%swap3A_96, %swap3A_97] : memref<1x20480xf32, #tpu.memory_space<vmem>>, vector<1x128xf32>
    tpu.vector_store %arg6[%swap3A_96, %swap3A_97], %scan3A_94 {strides = array<i32>} : memref<1x20480xf32, #tpu.memory_space<vmem>>, vector<1x128xf32>,
    %gt3A_99 = arith.constant 0.000000e+00 : f32
    %gt3A_100 = vector.broadcast %gt3A_99 : f32 to vector<1x128xf32>
    %gt3A_101 = arith.cmpf ogt, %scan3A_94, %gt3A_100 : vector<1x128xf32>
    %jit3A_102 = arith.constant 2.000000e+09 : f32
    %broadcast_in_dim3A_103 = vector.broadcast %jit3A_102 : f32 to vector<1x128xf32>
    %select_n3A_104 = arith.select %gt3A_101, %get3A_76, %broadcast_in_dim3A_103 : vector<1x128xi1>, vector<1x128xf32>
    %swap3A_105 = arith.constant 0 : index
    %swap3A_106 = arith.index_cast %mul3A_0 : i32 to index
    %swap3A_107 = vector.load %arg7[%swap3A_105, %swap3A_106] : memref<1x20480xf32, #tpu.memory_space<vmem>>, vector<1x128xf32>
    tpu.vector_store %arg7[%swap3A_105, %swap3A_106], %select_n3A_104 {strides = array<i32>} : memref<1x20480xf32, #tpu.memory_space<vmem>>, vector<1x128xf32>,
    %jit3A_108 = arith.constant 2.000000e+09 : f32
    %broadcast_in_dim3A_109 = vector.broadcast %jit3A_108 : f32 to vector<1x128xf32>
    %select_n3A_110 = arith.select %gt3A_101, %get3A_79, %broadcast_in_dim3A_109 : vector<1x128xi1>, vector<1x128xf32>
    %swap3A_111 = arith.constant 0 : index
    %swap3A_112 = arith.index_cast %mul3A_0 : i32 to index
    %swap3A_113 = vector.load %arg8[%swap3A_111, %swap3A_112] : memref<1x20480xf32, #tpu.memory_space<vmem>>, vector<1x128xf32>
    tpu.vector_store %arg8[%swap3A_111, %swap3A_112], %select_n3A_110 {strides = array<i32>} : memref<1x20480xf32, #tpu.memory_space<vmem>>, vector<1x128xf32>,
    %jit3A_114 = arith.constant 2.000000e+09 : f32
    %broadcast_in_dim3A_115 = vector.broadcast %jit3A_114 : f32 to vector<1x128xf32>
    %select_n3A_116 = arith.select %gt3A_101, %get3A_82, %broadcast_in_dim3A_115 : vector<1x128xi1>, vector<1x128xf32>
    %swap3A_117 = arith.constant 0 : index
    %swap3A_118 = arith.index_cast %mul3A_0 : i32 to index
    %swap3A_119 = vector.load %arg9[%swap3A_117, %swap3A_118] : memref<1x20480xf32, #tpu.memory_space<vmem>>, vector<1x128xf32>
    tpu.vector_store %arg9[%swap3A_117, %swap3A_118], %select_n3A_116 {strides = array<i32>} : memref<1x20480xf32, #tpu.memory_space<vmem>>, vector<1x128xf32>,
    %jit3A_120 = arith.constant 2.000000e+09 : f32
    %broadcast_in_dim3A_121 = vector.broadcast %jit3A_120 : f32 to vector<1x128xf32>
    %select_n3A_122 = arith.select %gt3A_101, %get3A_85, %broadcast_in_dim3A_121 : vector<1x128xi1>, vector<1x128xf32>
    %swap3A_123 = arith.constant 0 : index
    %swap3A_124 = arith.index_cast %mul3A_0 : i32 to index
    %swap3A_125 = vector.load %arg10[%swap3A_123, %swap3A_124] : memref<1x20480xf32, #tpu.memory_space<vmem>>, vector<1x128xf32>
    tpu.vector_store %arg10[%swap3A_123, %swap3A_124], %select_n3A_122 {strides = array<i32>} : memref<1x20480xf32, #tpu.memory_space<vmem>>, vector<1x128xf32>,
    %jit3A_126 = arith.constant 0.000000e+00 : f32
    %broadcast_in_dim3A_127 = vector.broadcast %jit3A_126 : f32 to vector<1x128xf32>
    %select_n3A_128 = arith.select %gt3A_101, %get3A_88, %broadcast_in_dim3A_127 : vector<1x128xi1>, vector<1x128xf32>
    %swap3A_129 = arith.constant 0 : index
    %swap3A_130 = arith.index_cast %mul3A_0 : i32 to index
    %swap3A_131 = vector.load %arg11[%swap3A_129, %swap3A_130] : memref<1x20480xf32, #tpu.memory_space<vmem>>, vector<1x128xf32>
    tpu.vector_store %arg11[%swap3A_129, %swap3A_130], %select_n3A_128 {strides = array<i32>} : memref<1x20480xf32, #tpu.memory_space<vmem>>, vector<1x128xf32>,
    return
  }
  func.func @transform_0(%arg0: i32) -> (i32, i32) {
    %c0_i32 = arith.constant 0 : i32
    %c0_i32_0 = arith.constant 0 : i32
    %c0_i32_1 = arith.constant 0 : i32
    return %c0_i32, %c0_i32_0 : i32, i32
  }
  func.func @transform_1(%arg0: i32) -> (i32, i32) {
    %c0_i32 = arith.constant 0 : i32
    %c0_i32_0 = arith.constant 0 : i32
    %c0_i32_1 = arith.constant 0 : i32
    return %c0_i32, %c0_i32_0 : i32, i32
  }
  func.func @transform_2(%arg0: i32) -> (i32, i32) {
    %c0_i32 = arith.constant 0 : i32
    %c0_i32_0 = arith.constant 0 : i32
    %c0_i32_1 = arith.constant 0 : i32
    return %c0_i32, %c0_i32_0 : i32, i32
  }
  func.func @transform_3(%arg0: i32) -> (i32, i32) {
    %c0_i32 = arith.constant 0 : i32
    %c0_i32_0 = arith.constant 0 : i32
    %c0_i32_1 = arith.constant 0 : i32
    return %c0_i32, %c0_i32_0 : i32, i32
  }
  func.func @transform_4(%arg0: i32) -> (i32, i32) {
    %c0_i32 = arith.constant 0 : i32
    %c0_i32_0 = arith.constant 0 : i32
    %c0_i32_1 = arith.constant 0 : i32
    return %c0_i32, %c0_i32_0 : i32, i32
  }
  func.func @transform_5(%arg0: i32) -> (i32, i32) {
    %c0_i32 = arith.constant 0 : i32
    %c0_i32_0 = arith.constant 0 : i32
    %c0_i32_1 = arith.constant 0 : i32
    return %c0_i32, %c0_i32_0 : i32, i32
  }
}

</mosaic_0001>

<sc_bundles>
// kernel: gather_offload_async_start
scs
__scs_entry_jumppad:
0x0: {  	(pc) =	sbr.rel $0x88, $3  }
0x1: {  	(tag) =	ssettag $0x0;
	lr =	simm.s32 $0x1  }
0x2: {  	[smem:$0x3F9F] =	sst lr;
	_ =	strace $0xD0000000  }
0x3: {  	_ = 	snop  }
0x4: {  	_ = 	snop  }
0x5: {  	_ = 	snop  }
0x6: {  	_ = 	snop  }
0x7: {  	_ = 	snop  }
__scs_overlays_trampoline_lowered:
0x8: {  	[smem:$0x3FAE] =	sst s0  }
0x9: {  	[smem:$0x3FAF] =	sst s1  }
0xa: {  	[smem:$0x3FB0] =	sst s2  }
0xb: {  	[smem:$0x3FB1] =	sst s3  }
0xc: {  	[smem:$0x3FB2] =	sst s4  }
0xd: {  	[smem:$0x3FB3] =	sst s5  }
0xe: {  	[smem:$0x3FB4] =	sst s6  }
0xf: {  	[smem:$0x3FB5] =	sst s7  }
0x10: {  	[smem:$0x3FB6] =	sst s8  }
0x11: {  	[smem:$0x3FB7] =	sst s9;
	s0 =	simm.s32 @!p0 $0x0  }
0x12: {  	s1 =	sld [smem:$0x3F9D];
	s0 =	simm.s32 @p0 $0x1  }
0x13: {  	[smem:$0x3FB8] =	sst s0;
	s0 =	simm.s32 @!p1 $0x0  }
0x14: {  	s2 =	sld [smem:$0x3F9C];
	s0 =	simm.s32 @p1 $0x1  }
0x15: {  	[smem:$0x3FB9] =	sst s0;
	s0 =	simm.s32 @!p2 $0x0  }
0x16: {  	s3 =	sld [smem:$0x3FDB];
	s0 =	simm.s32 @p2 $0x1  }
0x17: {  	s4 =	simm.s32 $0x1BF5;
	[smem:$0x3FBB] =	sst s0  }
0x18: {  	s0 =	sld [smem:$0x3F9E];
	_ =	swait.ge [sflag:s4], $0x0  }
0x19: {  	s7 =	sld [smem:$0x3F9F]  }
0x1a: {  	s8 =	sadd.s32 $0xFFFFE003, lr  }
0x1b: {  	s9 =	sadd.s32 $0xFFFFFEF7, lr;
	s5 =	simm.s32 $0xFFFFFFFF;
	p2 =	slt.u32 s8, $0xFFFFF086  }
0x1c: {  	p1 =	slt.u32 s9, $0xF7A;
	s5 =	simm.s32 @!p2 $0x0  }
0x1d: {  	s5 =	simm.s32 @p1 $0x1;
	p0 =	seq.s32 s7, s2  }
0x1e: {  	s7 =	smul.u32 @!p0 $0xF7A, s2;
	p2 =	seq.s32 @!p0 s5, $0x0  }
0x1f: {  	s9 =	smul.u32 $0xF7A, s1;
	s8 =	simm.s32 @!p0 $0x1BF5;
	p2 =	por !p2, p0  }
0x20: {  	[sflag:s8] =	ssyncset.s32 @!p0 $0xFFFFF086;
	s6 =	sadd.s32 @!p0 s3, s7;
	s7 =	simm.s32 @!p0 $0x108  }
0x21: {  	s3 =	sadd.s32 s3, s9;
	s6 =	sadd.s32 @!p0 $0x88, s6;
	s7 =	simm.s32 @p2 $0x1082  }
0x22: {  	[simem:s7], [sflag:s8] =	dma.local @!p0 [hbm:s6], $0xF7A  }
0x23: {  	s9 =	sor.u32 $0xD0000000, s2;
	s6 =	simm.s32 $0x108;
	_ =	swait.ge @!p0 [sflag:s8], $0x0  }
0x24: {  	s3 =	sadd.s32 $0x88, s3;
	s6 =	simm.s32 @!p1 $0x1082;
	[sflag:s4] =	ssyncset.s32 $0xFFFFF086  }
0x25: {  	[simem:s6], [sflag:s4] =	dma.local [hbm:s3], $0xF7A  }
0x26: {  	[smem:$0x3F9F] =	sst s1;
	(tag) =	ssettag s2;
	_ =	strace s9  }
0x27: {  	s1 =	sld [smem:$0x3FAF]  }
0x28: {  	s2 =	sld [smem:$0x3FB0]  }
0x29: {  	s4 =	sld [smem:$0x3FB2]  }
0x2a: {  	p0 =	seq.s32 s5, $0x0;
	s5 =	sld [smem:$0x3FB3]  }
0x2b: {  	s6 =	sld [smem:$0x3FB4]  }
0x2c: {  	s7 =	sld [smem:$0x3FB5]  }
0x2d: {  	s3 =	simm.s32 $0x108;
	s8 =	sld [smem:$0x3FB6]  }
0x2e: {  	s3 =	simm.s32 @!p0 $0x1082;
	s9 =	sld [smem:$0x3FB7]  }
0x2f: {  	lr =	sadd.s32 s0, s3;
	s0 =	sld [smem:$0x3FAE]  }
0x30: {  	s3 =	sld [smem:$0x3FB1]  }
0x31: {  	[smem:$0x3FBA] =	sst s10  }
0x32: {  	s10 =	sld [smem:$0x3FB8];
	_ =	sdelay $0x3  }
0x33: {  	p0 =	seq.s32 s10, $0x1;
	s10 =	sld [smem:$0x3FBA];
	_ =	sdelay $0x3  }
0x34: {  	[smem:$0x3FBA] =	sst s10  }
0x35: {  	s10 =	sld [smem:$0x3FB9];
	_ =	sdelay $0x3  }
0x36: {  	p1 =	seq.s32 s10, $0x1;
	s10 =	sld [smem:$0x3FBA];
	_ =	sdelay $0x3  }
0x37: {  	[smem:$0x3FBA] =	sst s10  }
0x38: {  	s10 =	sld [smem:$0x3FBB]  }
0x39: {  	_ = 	snop;
	(pc) =	sbr.ind lr, $3  }
0x3a: {  	_ = 	snop  }
0x3b: {  	_ = 	snop  }
0x3c: {  	p2 =	seq.s32 s10, $0x1;
	s10 =	sld [smem:$0x3FBA]  }
0x3d: {  	_ =	shalt  }
0x3e: {  	_ =	shalt  }
0x3f: {  	_ =	shalt  }
0x40: {  	_ =	shalt  }
0x41: {  	_ =	shalt  }
0x42: {  	_ =	shalt  }
0x43: {  	_ =	shalt  }
0x44: {  	_ =	shalt  }
0x45: {  	_ =	shalt  }
0x46: {  	_ =	shalt  }
0x47: {  	_ =	shalt  }
0x48: {  	_ =	shalt  }
0x49: {  	_ =	shalt  }
0x4a: {  	_ =	shalt  }
0x4b: {  	_ =	shalt  }
0x4c: {  	_ =	shalt  }
0x4d: {  	_ =	shalt  }
0x4e: {  	_ =	shalt  }
0x4f: {  	_ =	shalt  }
0x50: {  	_ =	shalt  }
0x51: {  	_ =	shalt  }
0x52: {  	_ =	shalt  }
0x53: {  	_ =	shalt  }
0x54: {  	_ =	shalt  }
0x55: {  	_ =	shalt  }
0x56: {  	_ =	shalt  }
0x57: {  	_ =	shalt  }
0x58: {  	_ =	shalt  }
0x59: {  	_ =	shalt  }
0x5a: {  	_ =	shalt  }
0x5b: {  	_ =	shalt  }
0x5c: {  	_ =	shalt  }
0x5d: {  	_ =	shalt  }
0x5e: {  	_ =	shalt  }
0x5f: {  	_ =	shalt  }
0x60: {  	_ =	shalt  }
0x61: {  	_ =	shalt  }
0x62: {  	_ =	shalt  }
0x63: {  	_ =	shalt  }
0x64: {  	_ =	shalt  }
0x65: {  	_ =	shalt  }
0x66: {  	_ =	shalt  }
0x67: {  	_ =	shalt  }
0x68: {  	_ =	shalt  }
0x69: {  	_ =	shalt  }
0x6a: {  	_ =	shalt  }
0x6b: {  	_ =	shalt  }
0x6c: {  	_ =	shalt  }
0x6d: {  	_ =	shalt  }
0x6e: {  	_ =	shalt  }
0x6f: {  	_ =	shalt  }
0x70: {  	_ =	shalt  }
0x71: {  	_ =	shalt  }
0x72: {  	_ =	shalt  }
0x73: {  	_ =	shalt  }
0x74: {  	_ =	shalt  }
0x75: {  	_ =	shalt  }
0x76: {  	_ =	shalt  }
0x77: {  	_ =	shalt  }
0x78: {  	_ =	shalt  }
0x79: {  	_ =	shalt  }
0x7a: {  	_ =	shalt  }
0x7b: {  	_ =	shalt  }
0x7c: {  	_ =	shalt  }
0x7d: {  	_ =	shalt  }
0x7e: {  	_ =	shalt  }
0x7f: {  	_ =	shalt  }
0x80: {  	_ =	shalt  }
0x81: {  	_ =	shalt  }
0x82: {  	_ =	shalt  }
0x83: {  	_ =	shalt  }
0x84: {  	_ =	shalt  }
0x85: {  	_ =	shalt  }
0x86: {  	_ =	shalt  }
0x87: {  	_ =	shalt  }
.Lfunc_end0:
.L_simem_size_0:
called_computation_lowered:
.L_overlay_start_0:
0x88: {  	s2 =	sld [smem:$0x3FD9]  }
0x89: {  	s3 =	sld [smem:$0x3FFE];
	_ =	sdelay $0x1  }
0x8a: {  	s1 =	srdreg.scid  }
0x8b: {  	s0 =	sand.u32 $0x1, s1  }
0x8c: {  	s17 =	sshll.u32 s0, $0xA;
	s2 =	sadd.s32 s3, s2  }
0x8d: {  	s2 =	sadd.s32 s2, s17  }
0x8e: {  	[smem:$0x3FC6] =	sst s2  }
0x8f: {  	_ = 	snop  }
0x90: {  	s2 =	sld [smem:$0x3FD0];
	(tm) =	ssettm $0x1  }
0x91: {  	s18 =	sld [smem:$0x3FFB];
	_ =	sdelay $0x3  }
0x92: {  	_ =	strace s18  }
0x93: {  	s3 =	sld [smem:$0x3FFC];
	_ =	sdelay $0x3  }
0x94: {  	_ =	strace s3  }
0x95: {  	s3 =	sld [smem:$0x3FFD];
	_ =	sdelay $0x3  }
0x96: {  	_ =	strace s3  }
0x97: {  	_ =	strace $0x8FFFFFFF  }
0x98: {  	s19 =	sld [smem:$0x3FDB];
	_ =	sdelay $0x1  }
0x99: {  	s4 =	simm.s32 $_scs_section_size  }
0x9a: {  	s5 =	simm.s32 $_size__tile_overlayer_lowered;
	s6 =	simm.s32 $_tile_overlayer_lowered  }
0x9b: {  	s22 =	simm.s32 $0x1BFF;
	s21 =	sshll.u32 s6, $0x1;
	s3 =	sadd.s32 s4, s19  }
0x9c: {  	s7 =	simm.s32 $0x0;
	s20 =	sshll.u32 s5, $0x1;
	s5 =	sadd.s32 s21, s3  }
0x9d: {  	[timem:s7], [sflag:s22] =	dma.local [hbm:s5], s20  }
0x9e: {  	_ =	swait.ge [sflag:s22], s20  }
0x9f: {  	s4 =	ssub.s32 $0x0, s20;
	[sflag:s22] =	ssyncset.done $0x0  }
0xa0: {  	[sflag:s22] =	ssyncadd.s32 s4;
	_ =	sdelay $0x1  }
0xa1: {  	s23 =	simm.s32 $0x1B8B  }
0xa2: {  	_ =	swait.ge [sflag:s23], $0x1  }
0xa3: {  	[sflag:s23] =	ssyncset.done $0x0  }
0xa4: {  	s25 =	simm.s32 $0x1B8E;
	s24 =	sld [smem:$0x3FFE];
	[sflag:s23] =	ssyncadd.s32 $0xFFFFFFFF  }
0xa5: {  	s26 =	simm.s32 $execute0_lowered;
	[smem:$0x3FD2] =	sst s25  }
0xa6: {  	s5 =	sshll.u32 s26, $0x1;
	_ =	strace $0x80000046;
	[dreg:$0x1] =	wrdreg $0xFFFFFFFF  }
0xa7: {  	s28 =	simm.s32 $_size_execute0_lowered;
	s3 =	sadd.s32 s3, s5;
	[dreg:$0x0] =	wrdreg $0x0  }
0xa8: {  	s5 =	sshll.u32 s28, $0x1;
	[dreg:$0x2] =	wrdreg s3  }
0xa9: {  	[dreg:$0x3] =	wrdreg s5  }
0xaa: {  	[dreg:$0x4] =	wrdreg $0xC0  }
0xab: {  	_ =	task [dreg:s7], $0x5FFFF  }
0xac: {  	[dreg:$0x1] =	wrdreg $0xFFFFFFFF  }
0xad: {  	[dreg:$0x0] =	wrdreg $0x60  }
0xae: {  	[dreg:$0x2] =	wrdreg s24  }
0xaf: {  	[dreg:$0x3] =	wrdreg s2  }
0xb0: {  	[dreg:$0x4] =	wrdreg $0x9  }
0xb1: {  	_ =	task.clear_ibuf [dreg:s7], $0x5FFFF;
	_ =	strace $0x90000046  }
0xb2: {  	s29 =	simm.s32 $0x9;
	_ =	strace $0x80000048  }
0xb3: {  	_ =	swait.ge [sflag:s29], $0x1  }
0xb4: {  	[sflag:s29] =	ssyncadd.s32 $0xFFFFFFFF  }
0xb5: {  	_ =	strace $0x90000048  }
0xb6: {  	_ =	sfence  }
0xb7: {  	s30 =	sld [smem:$0x0];
	_ =	sdelay $0x2  }
0xb8: {  	s31 =	sshll.u32 s1, $0xD;
	s1 =	sshrl.u32 s1, $0x2  }
0xb9: {  	s3 =	sand.u32 $0x4000, s31;
	s1 =	sadd.s32 s1, s30  }
0xba: {  	s0 =	sor.u32 s3, s0;
	s1 =	sshll.u32 s1, $0x11  }
0xbb: {  	s0 =	sor.u32 s1, s0  }
0xbc: {  	s0 =	sadd.s32 $0x8F2B, s0  }
0xbd: {  	[sflag:s0] =	ssyncadd.remote.s32 $0x1  }
0xbe: {  	_ =	sfence.sel $0xFFFF  }
0xbf: {  	[dreg:$0x0] =	wrdreg $0xFFFFFFFF;
	(pc) =	sbr.abs _section_cstart, $3  }
0xc0: {  	[dreg:$0x1] =	wrdreg $0xFFFFFFFF  }
0xc1: {  	_ =	task.clear_ibuf [dreg:s7], $0x2FFFF;
	_ =	strace $0x9FFFFFFF  }
0xc2: {  	(tm) =	ssettm $0x7FFFFFFF  }
0xc3: {  	_ =	shalt  }
tec
execute0_lowered:
.L_overlay_start_1:
0x0: {  	(tag) =	ssettag $0x1  }
0x1: {  	s0 =	srdreg.scid  }
0x2: {  	s1 =	sshll.u32 s0, $0x4  }
0x3: {  	s0 =	stileid.u32;
	s1 =	sand.u32 $0x10, s1  }
0x4: {  	s2 =	sor.u32 s0, s1  }
0x5: {  	s1 =	smin.u32 s2, $0x12  }
0x6: {  	s1 =	sadd.s32 s2, s1  }
0x7: {  	p0 =	slt.u32 s2, $0x12;
	s2 =	simm.s32 $0x320;
	s1 =	smul.u32 $0x190, s1  }
0x8: {  	s2 =	simm.s32 @!p0 $0x190  }
0x9: {  	s2 =	sadd.s32 s2, s1  }
0xa: {  	s3 =	smin.u32 s2, $0x4E20  }
0xb: {  	s7 =	ssub.s32 s3, s1  }
0xc: {  	p0 =	sgt.s32 s7, $0x0  }
0xd: {  	s7 =	simm.s32 @!p0 $0x0  }
0xe: {  	s31 =	sand.u32 $0xFFF0, s7  }
0xf: {  	s2 =	sshrl.u32 s31, $0x4  }
0x10: {  	s4 =	rddreg [dreg:$0x0];
	s2 =	smul.u32 $0xA3E, s2  }
0x11: {  	s5 =	rddreg [dreg:$0x1]  }
0x12: {  	s6 =	simm.s32 $0x1;
	s10 =	simm.s32 $0x3;
	s8 =	sshrl.u32 s2, $0x10  }
0x13: {  	s13 =	simm.s32 $0x0;
	s12 =	simm.s32 $0x0;
	s9 =	smul.u32 $0x190, s8  }
.Ltmp0:
0x14: {  	s11 =	smov.u32 s1;
	s2 =	rddreg [dreg:$0x2];
	(pc) =	sbr.rel .LBB2_1-.Ltmp0, $4  }
0x15: {  	_ =	strace $0x80000047;
	p0 =	sne.s32 s7, s9;
	s9 =	simm.s32 $0x1  }
0x16: {  	[sflag:s6] =	ssyncpa.u1 $0x0;
	s7 =	simm.s32 $0x2;
	s9 =	simm.s32 @!p0 $0x0  }
0x17: {  	[sflag:s7] =	ssyncpa.u1 $0x0;
	p0 =	por $0x0, $0x0;
	s8 =	sadd.s32 s8, s9  }
0x18: {  	vm0 =	vmmov $0xff;
	vm1 =	vcmask $0x3F20;
	s9 =	sadd.s32 $0x4E200, s4;
	[sflag:s10] =	ssyncpa.u1 $0x0;
	s10 =	sadd.s32 $0x1, s8  }
.LBB2_6:
0x19: {  	[hbm:s17] =	stream.linear.scatter [tilespmem:s14], [sflag:$0x3], $0x400, $0x38;
	[tilespmem:$0x19320] =	vst v63  }
.LBB2_7:
0x1a: {  	s13 =	sadd.s32 $0x190, s11  }
0x1b: {  	s15 =	smov.u32 s1;
	p2 =	slt.s32 s13, s3  }
0x1c: {  	s15 =	smov.u32 @p2 s13;
	p2 =	sne.s32 s12, s10  }
.Ltmp1:
0x1d: {  	p1 =	slt.u32 s12, $0x2;
	(pc) =	sbr.rel @!p2 .LBB2_8-.Ltmp1, $4  }
0x1e: {  	s14 =	simm.s32 @!p1 $0x3  }
0x1f: {  	s16 =	sadd.s32 $0x1, s12;
	_ =	swait.ge @!p1 [sflag:s14], $0xC800  }
0x20: {  	p0 =	por !p0, !p0;
	s13 =	smov.u32 s11;
	[sflag:s14] =	ssyncset.done @!p1 $0x0  }
0x21: {  	s12 =	smov.u32 s16;
	s11 =	smov.u32 s15;
	[sflag:s14] =	ssyncadd.s32 @!p1 $0xFFFF3800  }
.LBB2_1:
0x22: {  	p1 =	sge.u32 s12, s8  }
0x23: {  	s14 =	sxor.u32 @!p1 $0xFFFFFFFF, s12  }
0x24: {  	s14 =	sand.u32 @!p1 $0x1, s14  }
0x25: {  	s14 =	smul.u32 @!p1 $0x640, s14  }
0x26: {  	s31 =	sadd.s32 $0xFFFFFFFF, s12;
	s15 =	sshrl.u32 @!p1 s11, $0x3  }
0x27: {  	s16 =	sand.u32 @!p1 $0x7, s11;
	s15 =	sadd.s32 @!p1 s5, s15;
	s14 =	sshrl.u32 @!p1 s14, $0x2  }
0x28: {  	[tilespmem:s14], [sflag:$0x2] =	stream.linear.gather @!p1 [hbm4b:s15+s16], $0x190, $0x38;
	[tilespmem:$0x19320] =	vst v63  }
0x29: {  	p1 =	sge.u32 s31, s8  }
.Ltmp2:
0x2a: {  	_ = 	snop;
	(pc) =	sbr.rel @p1 .LBB2_7-.Ltmp2, $1  }
0x2b: {  	_ =	sdelay $0x3  }
0x2c: {  	s14 =	simm.s32 $0x1  }
0x2d: {  	s14 =	simm.s32 @!p0 $0x0  }
0x2e: {  	s15 =	smul.u32 $0x640, s14  }
0x2f: {  	_ =	swait.ge [sflag:s7], $0x190  }
0x30: {  	[sflag:s7] =	ssyncset.done $0x0;
	s16 =	sshrl.u32 s15, $0x2  }
0x31: {  	[sflag:s7] =	ssyncadd.s32 $0xFFFFFE70;
	s15 =	sadd.s32 $0x0, s16  }
0x32: {  	v0 =	vld.msk [tilespmem:s15+$0x0 ss:$0x1], $0xffff;
	_ =	sdelay $0x4  }
0x33: {  	vm2 =	vgt.s32 v0, $0x0  }
0x34: {  	v0 =	vnsel vm2, $0x0, v0  }
0x35: {  	v0 =	vmin.u32 v0, $0x4E1F  }
0x36: {  	v0 =	vshll.u32 v0, $0x4  }
0x37: {  	s14 =	smul.u32 $0x32000, s14;
	_ =	sdelay $0x1  }
0x38: {  	s14 =	sshrl.u32 s14, $0x2  }
0x39: {  	s14 =	sor.u32 $0x320, s14  }
0x3a: {  	[tilespmem:s14], [sflag:$0x1] =	stream.indirect_vreg.gather [hbm:s4], $0x80, v0, vm0, $0x38;
	[tilespmem:$0x19320] =	vst v63  }
0x3b: {  	s17 =	sadd.s32 $0x10, s16;
	s15 =	sadd.s32 $0x400, s14  }
0x3c: {  	[tilespmem:s15], [sflag:$0x1] =	stream.indirect_vreg.gather [hbm:s4], $0x80, v0, vm1, $0x38;
	[tilespmem:$0x19320] =	vst v63  }
0x3d: {  	s18 =	simm.s32 $0x80;
	v0 =	vld.msk [tilespmem:s17+$0x0 ss:$0x1], $0xffff;
	s17 =	smov.u32 s14  }
.LBB2_3:
0x3e: {  	p1 =	sne.s32 s18, $0x600;
	_ =	sdelay $0x4  }
0x3f: {  	vm2 =	vgt.s32 v0, $0x0  }
0x40: {  	v0 =	vnsel vm2, $0x0, v0  }
0x41: {  	v0 =	vmin.u32 v0, $0x4E1F  }
0x42: {  	v0 =	vshll.u32 v0, $0x4;
	_ =	sdelay $0x3  }
.Ltmp3:
0x43: {  	s19 =	sshra.s32 s18, $0x2;
	s17 =	sadd.s32 $0x800, s17;
	(pc) =	sbr.rel @p1 .LBB2_3-.Ltmp3, $4  }
0x44: {  	[tilespmem:s17], [sflag:$0x1] =	stream.indirect_vreg.gather [hbm:s4], $0x80, v0, vm0, $0x38;
	[tilespmem:$0x19320] =	vst v63  }
0x45: {  	s19 =	sadd.s32 s19, s16;
	s20 =	sadd.s32 $0x400, s17  }
0x46: {  	[tilespmem:s20], [sflag:$0x1] =	stream.indirect_vreg.gather [hbm:s4], $0x80, v0, vm1, $0x38;
	[tilespmem:$0x19320] =	vst v63  }
0x47: {  	s18 =	sadd.s32 $0x40, s18;
	v0 =	vld.msk [tilespmem:s19+$0x0 ss:$0x1], $0xffff  }
0x48: {  	_ =	sdelay $0x3  }
0x49: {  	vm2 =	vgt.s32 v0, $0x0  }
0x4a: {  	v0 =	vnsel vm2, $0x0, v0  }
0x4b: {  	v0 =	vmin.u32 v0, $0x4E1F  }
0x4c: {  	v0 =	vshll.u32 v0, $0x4;
	_ =	sdelay $0x3  }
0x4d: {  	s16 =	sadd.s32 $0x800, s17  }
0x4e: {  	[tilespmem:s16], [sflag:$0x1] =	stream.indirect_vreg.gather [hbm:s4], $0x80, v0, vm0, $0x38;
	[tilespmem:$0x19320] =	vst v63  }
0x4f: {  	s16 =	sadd.s32 $0x400, s16  }
0x50: {  	[tilespmem:s16], [sflag:$0x1] =	stream.indirect_vreg.gather [hbm:s4], $0x80, v0, vm1, $0x38;
	[tilespmem:$0x19320] =	vst v63  }
0x51: {  	s13 =	sshll.u32 s13, $0x4;
	_ =	swait.ge [sflag:s6], $0xC800  }
0x52: {  	s13 =	sadd.s32 s13, s9;
	[sflag:s6] =	ssyncset.done $0x0  }
0x53: {  	s17 =	sadd.s32 $0x0, s13;
	s16 =	simm.s32 $0x80;
	[sflag:s6] =	ssyncadd.s32 $0xFFFF3800  }
.LBB2_5:
0x54: {  	[hbm:s17] =	stream.linear.scatter [tilespmem:s14], [sflag:$0x3], $0x400, $0x38;
	[tilespmem:$0x19320] =	vst v63  }
0x55: {  	s17 =	smov.u32 s16;
	s14 =	smov.u32 s15;
	p1 =	sne.s32 s16, $0x1880  }
.Ltmp4:
0x56: {  	s16 =	sadd.s32 $0x80, s16;
	(pc) =	sbr.rel @p1 .LBB2_5-.Ltmp4, $2  }
0x57: {  	_ =	sdelay $0x2  }
0x58: {  	s15 =	sadd.s32 $0x400, s15;
	s17 =	sadd.s32 s17, s13  }
.Ltmp5:
0x59: {  	_ = 	snop;
	(pc) =	sbr.rel .LBB2_6-.Ltmp5, $1  }
0x5a: {  	_ =	sdelay $0x3  }
.LBB2_8:
0x5b: {  	_ =	sfence.sel $0x180000  }
0x5c: {  	s1 =	simm.s32 $0x2;
	[bflag:$0x0] =	sbarrier.arrive $0xFFFF  }
0x5d: {  	s30 =	simm.s32 $0x3;
	[sflag:s1] =	ssyncpa.u1 $0x1  }
0x5e: {  	s31 =	simm.s32 $0x1;
	[sflag:s30] =	ssyncpa.u1 $0x1  }
0x5f: {  	[sflag:s31] =	ssyncpa.u1 $0x1  }
0x60: {  	p0 =	sne.s32 s0, $0x0;
	_ =	strace $0x90000047  }
0x61: {  	s0 =	sadd.s32 @!p0 $0x100000, s2;
	[bflag:$0x2] =	sbarrier.arrive $0xFFFF  }
0x62: {  	[sflag:s0] =	ssyncadd.tile.s32 @!p0 $0x1;
	_ =	shalt  }
.Lfunc_end2:
_tile_overlayer_lowered:
.L_overlay_start_2:
0x63: {  	(tag) =	ssettag $0x2  }
0x64: {  	s0 =	rddreg [dreg:$0x0];
	s2 =	stileid.u32  }
0x65: {  	s1 =	rddreg [dreg:$0x1];
	p0 =	sne.s32 s2, $0x0  }
0x66: {  	s3 =	rddreg [dreg:$0x2];
	[bflag:$0x3] =	sbarrier.arrive $0xFFFF;
	s2 =	simm.s32 @!p0 $0x1C01  }
0x67: {  	[timem:s3], [sflag:s2] =	dma.local @!p0 [hbm:s0], s1  }
0x68: {  	s0 =	simm.s32 @!p0 $0x1  }
0x69: {  	_ =	swait.ge @!p0 [sflag:s0], s1  }
0x6a: {  	s1 =	ssub.s32 @!p0 $0x0, s1;
	[sflag:s0] =	ssyncset.done @!p0 $0x0  }
0x6b: {  	[sflag:s0] =	ssyncadd.s32 @!p0 s1  }
0x6c: {  	[bflag:$0x3] =	sbarrier.arrive $0xFFFF  }
0x6d: {  	_ =	shalt  }

</sc_bundles>
